<compile_context>
chip_gen: v7x
topology: tpu7x:2x2x1
jax: 0.10.2.dev20260603
libtpu: 0.0.44.dev20260713+nightly
codegen_flags: <defaults>
</compile_context>

<pallas_src>
import functools

import jax
import jax.numpy as jnp
from jax import lax
from jax.experimental import pallas as pl
from jax.experimental.pallas import tpu as pltpu
from jax.experimental.pallas import tpu_sc as plsc

N = 10000
E = 320000
H = 128
L = 4
LANES = 16
NC, NS = 2, 16
NW = NC * NS

SLOT = 128
CPE = 112
NCH_PAD = 2944
GRP = NCH_PAD // NW
GRP_H = GRP // 2
E_PAD = NCH_PAD * CPE
ACC_PAD = 8
SLAB = 624
TAIL = N - NS * SLAB
ZW = 78
OW = 104

NCHUNK = 80
NNCH = N // NCHUNK
EMB_BASE = NNCH // NW
EMB_REM = NNCH % NW


def _mesh():
    return plsc.VectorSubcoreMesh(
        core_axis_name="c", subcore_axis_name="s",
        num_cores=NC, num_subcores=NS)


def _zero_buf(buf, nrows):
    zeros = jnp.zeros((LANES,), jnp.float32)

    def row(r, carry):
        for j in range(H // LANES):
            buf[r, pl.ds(j * LANES, LANES)] = zeros
        return carry

    lax.fori_loop(0, nrows, row, 0)


@functools.partial(
    pl.kernel,
    out_type=jax.ShapeDtypeStruct((N, H), jnp.float32),
    mesh=_mesh(),
    scratch_types=[
        pltpu.VMEM((NCHUNK,), jnp.int32),
        pltpu.VMEM((NCHUNK,), jnp.int32),
        pltpu.VMEM((NCHUNK, H), jnp.float32),
        pltpu.VMEM((NCHUNK, H), jnp.float32),
        pltpu.SemaphoreType.DMA,
        pltpu.SemaphoreType.DMA,
    ],
)
def _embed(x0_hbm, x1_hbm, key_hbm, val_hbm, h_hbm,
           idx0, idx1, krows, vrows, sem0, sem1):
    c = lax.axis_index("c")
    s = lax.axis_index("s")
    w = s * NC + c
    nch = EMB_BASE + jnp.where(w < EMB_REM, 1, 0)
    c0 = EMB_BASE * w + jnp.minimum(w, EMB_REM)

    def body(k, carry):
        ch = c0 + k
        base = ch * NCHUNK
        pltpu.sync_copy(x0_hbm.at[pl.ds(base, NCHUNK)], idx0)
        pltpu.sync_copy(x1_hbm.at[pl.ds(base, NCHUNK)], idx1)
        cp0 = pltpu.async_copy(key_hbm.at[idx0], krows, sem0)
        cp1 = pltpu.async_copy(val_hbm.at[idx1], vrows, sem1)
        cp0.wait()
        cp1.wait()

        def row(r, cy):
            for j in range(H // LANES):
                sl = pl.ds(j * LANES, LANES)
                krows[r, sl] = krows[r, sl] + vrows[r, sl]
            return cy

        lax.fori_loop(0, NCHUNK, row, 0)
        pltpu.sync_copy(krows, h_hbm.at[pl.ds(base, NCHUNK)])
        return carry

    lax.fori_loop(0, nch, body, 0)


@functools.partial(
    pl.kernel,
    out_type=jax.ShapeDtypeStruct((NC, N, H), jnp.float32),
    mesh=_mesh(),
    scratch_types=[
        pltpu.VMEM((GRP_H * SLOT,), jnp.int32),
        pltpu.VMEM((GRP_H * SLOT,), jnp.int32),
        pltpu.VMEM((CPE, H), jnp.float32),
        pltpu.VMEM((CPE, H), jnp.float32),
        pltpu.VMEM_SHARED((N + ACC_PAD, H), jnp.float32),
        pltpu.SemaphoreType.DMA,
        pltpu.SemaphoreType.DMA,
    ],
)
def _edge_agg(h_hbm, src_hbm, dst_hbm, out_hbm,
              src_v, dst_v, rows, rows2, acc, gsem, gsem2):
    c = lax.axis_index("c")
    s = lax.axis_index("s")
    w = s * NC + c

    _zero_buf(rows, ZW)
    for k in range(SLAB // ZW):
        pltpu.sync_copy(rows.at[pl.ds(0, ZW)],
                        acc.at[pl.ds(s * SLAB + k * ZW, ZW)])

    @pl.when(s == NS - 1)
    def _():
        pltpu.sync_copy(rows.at[pl.ds(0, TAIL)],
                        acc.at[pl.ds(NS * SLAB, TAIL)])

    plsc.subcore_barrier()

    e0 = w * GRP * SLOT
    for h2 in range(2):
        s0 = e0 + h2 * GRP_H * SLOT
        pltpu.sync_copy(src_hbm.at[pl.ds(s0, GRP_H * SLOT)], src_v)
        pltpu.sync_copy(dst_hbm.at[pl.ds(s0, GRP_H * SLOT)], dst_v)
        pltpu.async_copy(h_hbm.at[src_v.at[pl.ds(0, CPE)]], rows, gsem)

        def body(j, carry):
            k = 2 * j
            pltpu.make_async_copy(h_hbm.at[src_v.at[pl.ds(k * SLOT, CPE)]],
                                  rows, gsem).wait()
            pltpu.async_copy(
                h_hbm.at[src_v.at[pl.ds((k + 1) * SLOT, CPE)]], rows2, gsem2)
            pltpu.sync_copy(rows, acc.at[dst_v.at[pl.ds(k * SLOT, CPE)]],
                            add=True)

            @pl.when(k + 2 < GRP_H)
            def _():
                pltpu.async_copy(
                    h_hbm.at[src_v.at[pl.ds((k + 2) * SLOT, CPE)]], rows,
                    gsem)

            pltpu.make_async_copy(
                h_hbm.at[src_v.at[pl.ds((k + 1) * SLOT, CPE)]],
                rows2, gsem2).wait()
            pltpu.sync_copy(rows2, acc.at[dst_v.at[pl.ds((k + 1) * SLOT, CPE)]],
                            add=True)
            return carry

        lax.fori_loop(0, GRP_H // 2, body, 0)

    plsc.subcore_barrier()

    for k in range(SLAB // OW):
        r0 = s * SLAB + k * OW
        pltpu.sync_copy(acc.at[pl.ds(r0, OW)], rows.at[pl.ds(0, OW)])
        pltpu.sync_copy(rows.at[pl.ds(0, OW)],
                        out_hbm.at[c, pl.ds(r0, OW)])

    @pl.when(s == NS - 1)
    def _():
        pltpu.sync_copy(acc.at[pl.ds(NS * SLAB, TAIL)],
                        rows2.at[pl.ds(0, TAIL)])
        pltpu.sync_copy(rows2.at[pl.ds(0, TAIL)],
                        out_hbm.at[c, pl.ds(NS * SLAB, TAIL)])


BLK = 2000


def _tc_layer_body(last, h_ref, p0_ref, p1_ref, w_ref, b_ref, g_ref, be_ref,
                   wo_ref, o_ref):
    agg = p0_ref[...] + p1_ref[...]
    z = jnp.dot(agg, w_ref[...], preferred_element_type=jnp.float32,
                precision=lax.Precision.HIGHEST) + b_ref[...]
    hn = h_ref[...] + jnp.maximum(z, 0.0)
    mu = jnp.mean(hn, axis=-1, keepdims=True)
    d = hn - mu
    var = jnp.mean(d * d, axis=-1, keepdims=True)
    ln = d * lax.rsqrt(var + 1e-5) * g_ref[...] + be_ref[...]
    if last:
        o_ref[...] = jnp.dot(ln, wo_ref[...], preferred_element_type=jnp.float32,
                             precision=lax.Precision.HIGHEST)
    else:
        o_ref[...] = ln


def _tc_layer(h, p0, p1, w, b, g, be, wo=None):
    last = wo is not None
    full = pl.BlockSpec((H, H), lambda i: (0, 0))
    vec = pl.BlockSpec((1, H), lambda i: (0, 0))
    row_blk = pl.BlockSpec((BLK, H), lambda i: (i, 0))
    in_specs = [row_blk, row_blk, row_blk, full, vec, vec, vec]
    args = [h, p0, p1, w, b.reshape(1, H), g.reshape(1, H), be.reshape(1, H)]
    if last:
        in_specs.append(full)
        args.append(wo)
    if last:
        def body(h_r, p0_r, p1_r, w_r, b_r, g_r, be_r, wo_r, o_r):
            _tc_layer_body(True, h_r, p0_r, p1_r, w_r, b_r, g_r, be_r, wo_r, o_r)
    else:
        def body(h_r, p0_r, p1_r, w_r, b_r, g_r, be_r, o_r):
            _tc_layer_body(False, h_r, p0_r, p1_r, w_r, b_r, g_r, be_r, None, o_r)
    return pl.pallas_call(
        body,
        grid=(N // BLK,),
        in_specs=in_specs,
        out_specs=row_blk,
        out_shape=jax.ShapeDtypeStruct((N, H), jnp.float32),
    )(*args)


def _tc_out(h, wo):
    def body(h_r, wo_r, o_r):
        o_r[...] = jnp.dot(h_r[...], wo_r[...],
                           preferred_element_type=jnp.float32,
                           precision=lax.Precision.HIGHEST)

    return pl.pallas_call(
        body,
        grid=(N // BLK,),
        in_specs=[pl.BlockSpec((BLK, H), lambda i: (i, 0)),
                  pl.BlockSpec((H, H), lambda i: (0, 0))],
        out_specs=pl.BlockSpec((BLK, H), lambda i: (i, 0)),
        out_shape=jax.ShapeDtypeStruct((N, H), jnp.float32),
    )(h, wo)


def kernel(x, edge_index, batch, key_table, val_table, Ws, bs, gammas, betas,
           W_out):
    del batch
    x0 = x[:, 0].astype(jnp.int32)
    x1 = x[:, 1].astype(jnp.int32)
    pad = E_PAD - E
    pad_src = (jnp.arange(pad, dtype=jnp.int32) * 37) % N
    pad_dst = N + (jnp.arange(pad, dtype=jnp.int32) % ACC_PAD)

    def slot(a, fill):
        a = jnp.concatenate([a.astype(jnp.int32), fill]).reshape(NCH_PAD, CPE)
        return jnp.pad(a, ((0, 0), (0, SLOT - CPE))).reshape(-1)

    src = slot(edge_index[0], pad_src)
    dst = slot(edge_index[1], pad_dst)

    h = _embed(x0, x1, key_table, val_table)

    def step(hc, layer_params):
        w, b, g, be = layer_params
        parts = _edge_agg(hc, src, dst)
        return _tc_layer(hc, parts[0], parts[1], w, b, g, be, None), None

    h, _ = lax.scan(step, h, (Ws, bs, gammas, betas))
    return _tc_out(h, W_out)

# --- scband reference (transcript-rebuilt; emitter-appended) ---
"""Pipeline reference for scband-graph-model-73607149519132 (READ-ONLY COPY).

The authoritative reference and input builder live on the scoring server;
editing this copy changes nothing except your own understanding.
"""

import jax, jax.numpy as jnp
import numpy as np

N = 10000
E = 320000
H = 128
DIM0 = 1000
OUT = 128
L = 4


def layer_norm(h, g, b, eps=1e-5):
    mu = jnp.mean(h, axis=-1, keepdims=True)
    var = jnp.var(h, axis=-1, keepdims=True)
    return (h - mu) / jnp.sqrt(var + eps) * g + b


def setup_inputs(seed: int = 0) -> dict:
    key = jax.random.key(seed)
    ks = jax.random.split(key, 12)
    x = jax.random.randint(ks[0], (N, 2), 0, DIM0)
    edge_index = jax.random.randint(ks[1], (2, E), 0, N)
    batch = jnp.sort(jax.random.randint(ks[2], (N,), 0, 16))
    key_table = jax.random.normal(ks[3], (DIM0 + 1, H), dtype=jnp.float32) * 0.02
    val_table = jax.random.normal(ks[4], (DIM0 + 1, H), dtype=jnp.float32) * 0.02
    Ws = jax.random.normal(ks[5], (L, H, H), dtype=jnp.float32) * (1.0 / np.sqrt(H))
    bs = jnp.zeros((L, H), dtype=jnp.float32)
    gammas = jnp.ones((L, H), dtype=jnp.float32)
    betas = jnp.zeros((L, H), dtype=jnp.float32)
    W_out = jax.random.normal(ks[6], (H, OUT), dtype=jnp.float32) * (1.0 / np.sqrt(H))
    return {"x": x, "edge_index": edge_index, "batch": batch,
            "key_table": key_table, "val_table": val_table,
            "Ws": Ws, "bs": bs, "gammas": gammas, "betas": betas, "W_out": W_out}


def reference(x, edge_index, batch, key_table, val_table, Ws, bs, gammas, betas, W_out):
    # layer0: dual embedding lookup (keys + values) summed
    h = key_table[x[:, 0]] + val_table[x[:, 1]]
    src = edge_index[0]
    dst = edge_index[1]
    for i in range(L):
        # GCN-style message passing layer: linear transform, gather by src, scatter-add to dst
        m = h @ Ws[i]
        agg = jax.ops.segment_sum(m[src], dst, num_segments=N) + bs[i]
        new_h = jax.nn.relu(agg)          # use_activation
        h = h + new_h                     # use_residual
        h = layer_norm(h, gammas[i], betas[i])  # layer_norm
    logits = h @ W_out
    return logits

if __name__ == "__main__":
    import jax
    _d = setup_inputs()
    print(jax.jit(kernel)(*tuple(_d.values())))

</pallas_src>

<mosaic_0001>
#map = affine_map<(d0, d1) -> (0)>
#map1 = affine_map<(d0, d1) -> (0, 0)>
module attributes {stable_mosaic.version = 14 : i64} {
  func.func @_embed(%arg0: i32, %arg1: i32, %arg2: memref<10000xi32, #tpu.memory_space<hbm>>, %arg3: memref<10000xi32, #tpu.memory_space<hbm>>, %arg4: memref<1001x128xf32, #tpu.memory_space<hbm>>, %arg5: memref<1001x128xf32, #tpu.memory_space<hbm>>, %arg6: memref<10000x128xf32, #tpu.memory_space<hbm>>, %arg7: memref<80xi32, #tpu.memory_space<vmem>>, %arg8: memref<80xi32, #tpu.memory_space<vmem>>, %arg9: memref<80x128xf32, #tpu.memory_space<vmem>>, %arg10: memref<80x128xf32, #tpu.memory_space<vmem>>, %arg11: memref<!tpu.dma_semaphore, #tpu.memory_space<semaphore_mem>>, %arg12: memref<!tpu.dma_semaphore, #tpu.memory_space<semaphore_mem>>) attributes {dimension_semantics = [#tpu.dimension_semantics<core_parallel>, #tpu.dimension_semantics<subcore_parallel>], iteration_bounds = array<i64: 2, 16>, scalar_prefetch = 0 : i64, scratch_operands = 6 : i64, tpu.core_type = #tpu.core_type<sc_vector_subcore>, window_params = [{transform_indices = #map}, {transform_indices = #map}, {transform_indices = #map1}, {transform_indices = #map1}, {transform_indices = #map1}]} {
    %mul3A = arith.constant 2 : i32
    %mul3A_0 = arith.muli %arg1, %mul3A : i32
    %add3A = arith.addi %mul3A_0, %arg0 : i32
    %lt3A = arith.constant 29 : i32
    %lt3A_1 = arith.cmpi slt, %add3A, %lt3A : i32
    %jit3A = arith.constant 1 : i32
    %jit3A_2 = arith.constant 0 : i32
    %select_n3A = arith.select %lt3A_1, %jit3A, %jit3A_2 : i32
    %add3A_3 = arith.constant 3 : i32
    %add3A_4 = arith.addi %add3A_3, %select_n3A : i32
    %mul3A_5 = arith.constant 3 : i32
    %mul3A_6 = arith.muli %mul3A_5, %add3A : i32
    %min3A = arith.constant 29 : i32
    %min3A_7 = arith.minsi %add3A, %min3A : i32
    %add3A_8 = arith.addi %mul3A_6, %min3A_7 : i32
    %while3A = arith.constant 0 : i32
    %while3A_9 = arith.constant 0 : i32
    %while3A_10 = arith.subi %add3A_4, %while3A_9 : i32
    %while3A_11 = arith.addi %while3A_9, %while3A_10 : i32
    %while3A_12 = arith.constant 1 : i32
    %while3A_13 = arith.divsi %while3A_10, %while3A_12 : i32
    %while3A_14 = arith.muli %while3A_13, %while3A_12 : i32
    %while3A_15 = arith.addi %while3A_9, %while3A_14 : i32
    %while3A_16 = arith.constant 1 : i32
    scf.for %while3A_18 = %while3A_9 to %while3A_15 step %while3A_16  : i32 {
      %add3A_19 = arith.addi %add3A_8, %while3A_18 : i32
      %mul3A_20 = arith.constant 80 : i32
      %mul3A_21 = arith.muli %add3A_19, %mul3A_20 : i32
      "tpu.region"() ({
        %run_scoped3A = tpu.sem_alloc : memref<!tpu.dma_semaphore, #tpu.memory_space<semaphore_mem>>
        %dma_start3A_37 = tpu.memref_slice %arg2[%mul3A_21] : memref<10000xi32, #tpu.memory_space<hbm>> -> memref<80xi32, #tpu.memory_space<hbm>>
        %dma_start3A_38 = tpu.memref_slice %arg2[%mul3A_21] : memref<10000xi32, #tpu.memory_space<hbm>> -> memref<80xi32, #tpu.memory_space<hbm>>
        tpu.enqueue_dma source(%dma_start3A_38 : memref<80xi32, #tpu.memory_space<hbm>>) target(%arg7 : memref<80xi32, #tpu.memory_space<vmem>>) target_semaphore(%run_scoped3A : memref<!tpu.dma_semaphore, #tpu.memory_space<semaphore_mem>>)
        %dma_wait3A_39 = tpu.memref_slice %arg2[%mul3A_21] : memref<10000xi32, #tpu.memory_space<hbm>> -> memref<80xi32, #tpu.memory_space<hbm>>
        %dma_wait3A_40 = tpu.memref_slice %arg2[%mul3A_21] : memref<10000xi32, #tpu.memory_space<hbm>> -> memref<80xi32, #tpu.memory_space<hbm>>
        tpu.wait_dma2 semaphore(%run_scoped3A : memref<!tpu.dma_semaphore, #tpu.memory_space<semaphore_mem>>) src(%dma_wait3A_40 : memref<80xi32, #tpu.memory_space<hbm>>) dst(%arg7 : memref<80xi32, #tpu.memory_space<vmem>>)
        tpu.yield
      }) : () -> ()
      "tpu.region"() ({
        %run_scoped3A = tpu.sem_alloc : memref<!tpu.dma_semaphore, #tpu.memory_space<semaphore_mem>>
        %dma_start3A_37 = tpu.memref_slice %arg3[%mul3A_21] : memref<10000xi32, #tpu.memory_space<hbm>> -> memref<80xi32, #tpu.memory_space<hbm>>
        %dma_start3A_38 = tpu.memref_slice %arg3[%mul3A_21] : memref<10000xi32, #tpu.memory_space<hbm>> -> memref<80xi32, #tpu.memory_space<hbm>>
        tpu.enqueue_dma source(%dma_start3A_38 : memref<80xi32, #tpu.memory_space<hbm>>) target(%arg8 : memref<80xi32, #tpu.memory_space<vmem>>) target_semaphore(%run_scoped3A : memref<!tpu.dma_semaphore, #tpu.memory_space<semaphore_mem>>)
        %dma_wait3A_39 = tpu.memref_slice %arg3[%mul3A_21] : memref<10000xi32, #tpu.memory_space<hbm>> -> memref<80xi32, #tpu.memory_space<hbm>>
        %dma_wait3A_40 = tpu.memref_slice %arg3[%mul3A_21] : memref<10000xi32, #tpu.memory_space<hbm>> -> memref<80xi32, #tpu.memory_space<hbm>>
        tpu.wait_dma2 semaphore(%run_scoped3A : memref<!tpu.dma_semaphore, #tpu.memory_space<semaphore_mem>>) src(%dma_wait3A_40 : memref<80xi32, #tpu.memory_space<hbm>>) dst(%arg8 : memref<80xi32, #tpu.memory_space<vmem>>)
        tpu.yield
      }) : () -> ()
      %dma_start3A = arith.constant 0 : i32
      %dma_start3A_22 = arith.constant 0 : i32
      %dma_start3A_23 = tpu.memref_slice %arg4[%dma_start3A, %dma_start3A_22] : memref<1001x128xf32, #tpu.memory_space<hbm>> -> memref<1001x128xf32, #tpu.memory_space<hbm>>
      tpu.enqueue_indirect_dma source(%dma_start3A_23 : memref<1001x128xf32, #tpu.memory_space<hbm>>) target(%arg9 : memref<80x128xf32, #tpu.memory_space<vmem>>) offsets(%arg7 : memref<80xi32, #tpu.memory_space<vmem>>) semaphore(%arg11 : memref<!tpu.dma_semaphore, #tpu.memory_space<semaphore_mem>>)
      %dma_start3A_24 = arith.constant 0 : i32
      %dma_start3A_25 = arith.constant 0 : i32
      %dma_start3A_26 = tpu.memref_slice %arg5[%dma_start3A_24, %dma_start3A_25] : memref<1001x128xf32, #tpu.memory_space<hbm>> -> memref<1001x128xf32, #tpu.memory_space<hbm>>
      tpu.enqueue_indirect_dma source(%dma_start3A_26 : memref<1001x128xf32, #tpu.memory_space<hbm>>) target(%arg10 : memref<80x128xf32, #tpu.memory_space<vmem>>) offsets(%arg8 : memref<80xi32, #tpu.memory_space<vmem>>) semaphore(%arg12 : memref<!tpu.dma_semaphore, #tpu.memory_space<semaphore_mem>>)
      %dma_wait3A = arith.constant 0 : i32
      %dma_wait3A_27 = arith.constant 0 : i32
      %dma_wait3A_28 = tpu.memref_slice %arg4[%dma_wait3A, %dma_wait3A_27] : memref<1001x128xf32, #tpu.memory_space<hbm>> -> memref<1001x128xf32, #tpu.memory_space<hbm>>
      tpu.wait_indirect_dma semaphore(%arg11 : memref<!tpu.dma_semaphore, #tpu.memory_space<semaphore_mem>>) src(%dma_wait3A_28 : memref<1001x128xf32, #tpu.memory_space<hbm>>) dst(%arg9 : memref<80x128xf32, #tpu.memory_space<vmem>>)
      %dma_wait3A_29 = arith.constant 0 : i32
      %dma_wait3A_30 = arith.constant 0 : i32
      %dma_wait3A_31 = tpu.memref_slice %arg5[%dma_wait3A_29, %dma_wait3A_30] : memref<1001x128xf32, #tpu.memory_space<hbm>> -> memref<1001x128xf32, #tpu.memory_space<hbm>>
      tpu.wait_indirect_dma semaphore(%arg12 : memref<!tpu.dma_semaphore, #tpu.memory_space<semaphore_mem>>) src(%dma_wait3A_31 : memref<1001x128xf32, #tpu.memory_space<hbm>>) dst(%arg10 : memref<80x128xf32, #tpu.memory_space<vmem>>)
      %scan3A = arith.constant 0 : i32
      %scan3A_32 = arith.constant 0 : i32
      %scan3A_33 = arith.constant 80 : i32
      %scan3A_34 = arith.addi %scan3A_32, %scan3A_33 : i32
      %scan3A_35 = arith.constant 1 : i32
      scf.for %scan3A_37 = %scan3A_32 to %scan3A_34 step %scan3A_35  : i32 {
        %get3A = arith.index_cast %scan3A_37 : i32 to index
        %get3A_38 = arith.constant 0 : index
        %get3A_39 = tpu.vector_load %arg9[%get3A, %get3A_38] {strides = array<i32>} : memref<80x128xf32, #tpu.memory_space<vmem>>, vector<1x16xf32>,
        %get3A_40 = vector.shape_cast %get3A_39 : vector<1x16xf32> to vector<16xf32>
        %get3A_41 = arith.index_cast %scan3A_37 : i32 to index
        %get3A_42 = arith.constant 0 : index
        %get3A_43 = tpu.vector_load %arg10[%get3A_41, %get3A_42] {strides = array<i32>} : memref<80x128xf32, #tpu.memory_space<vmem>>, vector<1x16xf32>,
        %get3A_44 = vector.shape_cast %get3A_43 : vector<1x16xf32> to vector<16xf32>
        %add3A_45 = arith.addf %get3A_40, %get3A_44 : vector<16xf32>
        %swap3A = arith.index_cast %scan3A_37 : i32 to index
        %swap3A_46 = arith.constant 0 : index
        %swap3A_47 = tpu.vector_load %arg9[%swap3A, %swap3A_46] {strides = array<i32>} : memref<80x128xf32, #tpu.memory_space<vmem>>, vector<1x16xf32>,
        %swap3A_48 = vector.shape_cast %swap3A_47 : vector<1x16xf32> to vector<16xf32>
        %swap3A_49 = vector.shape_cast %add3A_45 : vector<16xf32> to vector<1x16xf32>
        tpu.vector_store %arg9[%swap3A, %swap3A_46], %swap3A_49 {strides = array<i32>} : memref<80x128xf32, #tpu.memory_space<vmem>>, vector<1x16xf32>,
        %get3A_50 = arith.index_cast %scan3A_37 : i32 to index
        %get3A_51 = arith.constant 16 : index
        %get3A_52 = tpu.vector_load %arg9[%get3A_50, %get3A_51] {strides = array<i32>} : memref<80x128xf32, #tpu.memory_space<vmem>>, vector<1x16xf32>,
        %get3A_53 = vector.shape_cast %get3A_52 : vector<1x16xf32> to vector<16xf32>
        %get3A_54 = arith.index_cast %scan3A_37 : i32 to index
        %get3A_55 = arith.constant 16 : index
        %get3A_56 = tpu.vector_load %arg10[%get3A_54, %get3A_55] {strides = array<i32>} : memref<80x128xf32, #tpu.memory_space<vmem>>, vector<1x16xf32>,
        %get3A_57 = vector.shape_cast %get3A_56 : vector<1x16xf32> to vector<16xf32>
        %add3A_58 = arith.addf %get3A_53, %get3A_57 : vector<16xf32>
        %swap3A_59 = arith.index_cast %scan3A_37 : i32 to index
        %swap3A_60 = arith.constant 16 : index
        %swap3A_61 = tpu.vector_load %arg9[%swap3A_59, %swap3A_60] {strides = array<i32>} : memref<80x128xf32, #tpu.memory_space<vmem>>, vector<1x16xf32>,
        %swap3A_62 = vector.shape_cast %swap3A_61 : vector<1x16xf32> to vector<16xf32>
        %swap3A_63 = vector.shape_cast %add3A_58 : vector<16xf32> to vector<1x16xf32>
        tpu.vector_store %arg9[%swap3A_59, %swap3A_60], %swap3A_63 {strides = array<i32>} : memref<80x128xf32, #tpu.memory_space<vmem>>, vector<1x16xf32>,
        %get3A_64 = arith.index_cast %scan3A_37 : i32 to index
        %get3A_65 = arith.constant 32 : index
        %get3A_66 = tpu.vector_load %arg9[%get3A_64, %get3A_65] {strides = array<i32>} : memref<80x128xf32, #tpu.memory_space<vmem>>, vector<1x16xf32>,
        %get3A_67 = vector.shape_cast %get3A_66 : vector<1x16xf32> to vector<16xf32>
        %get3A_68 = arith.index_cast %scan3A_37 : i32 to index
        %get3A_69 = arith.constant 32 : index
        %get3A_70 = tpu.vector_load %arg10[%get3A_68, %get3A_69] {strides = array<i32>} : memref<80x128xf32, #tpu.memory_space<vmem>>, vector<1x16xf32>,
        %get3A_71 = vector.shape_cast %get3A_70 : vector<1x16xf32> to vector<16xf32>
        %add3A_72 = arith.addf %get3A_67, %get3A_71 : vector<16xf32>
        %swap3A_73 = arith.index_cast %scan3A_37 : i32 to index
        %swap3A_74 = arith.constant 32 : index
        %swap3A_75 = tpu.vector_load %arg9[%swap3A_73, %swap3A_74] {strides = array<i32>} : memref<80x128xf32, #tpu.memory_space<vmem>>, vector<1x16xf32>,
        %swap3A_76 = vector.shape_cast %swap3A_75 : vector<1x16xf32> to vector<16xf32>
        %swap3A_77 = vector.shape_cast %add3A_72 : vector<16xf32> to vector<1x16xf32>
        tpu.vector_store %arg9[%swap3A_73, %swap3A_74], %swap3A_77 {strides = array<i32>} : memref<80x128xf32, #tpu.memory_space<vmem>>, vector<1x16xf32>,
        %get3A_78 = arith.index_cast %scan3A_37 : i32 to index
        %get3A_79 = arith.constant 48 : index
        %get3A_80 = tpu.vector_load %arg9[%get3A_78, %get3A_79] {strides = array<i32>} : memref<80x128xf32, #tpu.memory_space<vmem>>, vector<1x16xf32>,
        %get3A_81 = vector.shape_cast %get3A_80 : vector<1x16xf32> to vector<16xf32>
        %get3A_82 = arith.index_cast %scan3A_37 : i32 to index
        %get3A_83 = arith.constant 48 : index
        %get3A_84 = tpu.vector_load %arg10[%get3A_82, %get3A_83] {strides = array<i32>} : memref<80x128xf32, #tpu.memory_space<vmem>>, vector<1x16xf32>,
        %get3A_85 = vector.shape_cast %get3A_84 : vector<1x16xf32> to vector<16xf32>
        %add3A_86 = arith.addf %get3A_81, %get3A_85 : vector<16xf32>
        %swap3A_87 = arith.index_cast %scan3A_37 : i32 to index
        %swap3A_88 = arith.constant 48 : index
        %swap3A_89 = tpu.vector_load %arg9[%swap3A_87, %swap3A_88] {strides = array<i32>} : memref<80x128xf32, #tpu.memory_space<vmem>>, vector<1x16xf32>,
        %swap3A_90 = vector.shape_cast %swap3A_89 : vector<1x16xf32> to vector<16xf32>
        %swap3A_91 = vector.shape_cast %add3A_86 : vector<16xf32> to vector<1x16xf32>
        tpu.vector_store %arg9[%swap3A_87, %swap3A_88], %swap3A_91 {strides = array<i32>} : memref<80x128xf32, #tpu.memory_space<vmem>>, vector<1x16xf32>,
        %get3A_92 = arith.index_cast %scan3A_37 : i32 to index
        %get3A_93 = arith.constant 64 : index
        %get3A_94 = tpu.vector_load %arg9[%get3A_92, %get3A_93] {strides = array<i32>} : memref<80x128xf32, #tpu.memory_space<vmem>>, vector<1x16xf32>,
        %get3A_95 = vector.shape_cast %get3A_94 : vector<1x16xf32> to vector<16xf32>
        %get3A_96 = arith.index_cast %scan3A_37 : i32 to index
        %get3A_97 = arith.constant 64 : index
        %get3A_98 = tpu.vector_load %arg10[%get3A_96, %get3A_97] {strides = array<i32>} : memref<80x128xf32, #tpu.memory_space<vmem>>, vector<1x16xf32>,
        %get3A_99 = vector.shape_cast %get3A_98 : vector<1x16xf32> to vector<16xf32>
        %add3A_100 = arith.addf %get3A_95, %get3A_99 : vector<16xf32>
        %swap3A_101 = arith.index_cast %scan3A_37 : i32 to index
        %swap3A_102 = arith.constant 64 : index
        %swap3A_103 = tpu.vector_load %arg9[%swap3A_101, %swap3A_102] {strides = array<i32>} : memref<80x128xf32, #tpu.memory_space<vmem>>, vector<1x16xf32>,
        %swap3A_104 = vector.shape_cast %swap3A_103 : vector<1x16xf32> to vector<16xf32>
        %swap3A_105 = vector.shape_cast %add3A_100 : vector<16xf32> to vector<1x16xf32>
        tpu.vector_store %arg9[%swap3A_101, %swap3A_102], %swap3A_105 {strides = array<i32>} : memref<80x128xf32, #tpu.memory_space<vmem>>, vector<1x16xf32>,
        %get3A_106 = arith.index_cast %scan3A_37 : i32 to index
        %get3A_107 = arith.constant 80 : index
        %get3A_108 = tpu.vector_load %arg9[%get3A_106, %get3A_107] {strides = array<i32>} : memref<80x128xf32, #tpu.memory_space<vmem>>, vector<1x16xf32>,
        %get3A_109 = vector.shape_cast %get3A_108 : vector<1x16xf32> to vector<16xf32>
        %get3A_110 = arith.index_cast %scan3A_37 : i32 to index
        %get3A_111 = arith.constant 80 : index
        %get3A_112 = tpu.vector_load %arg10[%get3A_110, %get3A_111] {strides = array<i32>} : memref<80x128xf32, #tpu.memory_space<vmem>>, vector<1x16xf32>,
        %get3A_113 = vector.shape_cast %get3A_112 : vector<1x16xf32> to vector<16xf32>
        %add3A_114 = arith.addf %get3A_109, %get3A_113 : vector<16xf32>
        %swap3A_115 = arith.index_cast %scan3A_37 : i32 to index
        %swap3A_116 = arith.constant 80 : index
        %swap3A_117 = tpu.vector_load %arg9[%swap3A_115, %swap3A_116] {strides = array<i32>} : memref<80x128xf32, #tpu.memory_space<vmem>>, vector<1x16xf32>,
        %swap3A_118 = vector.shape_cast %swap3A_117 : vector<1x16xf32> to vector<16xf32>
        %swap3A_119 = vector.shape_cast %add3A_114 : vector<16xf32> to vector<1x16xf32>
        tpu.vector_store %arg9[%swap3A_115, %swap3A_116], %swap3A_119 {strides = array<i32>} : memref<80x128xf32, #tpu.memory_space<vmem>>, vector<1x16xf32>,
        %get3A_120 = arith.index_cast %scan3A_37 : i32 to index
        %get3A_121 = arith.constant 96 : index
        %get3A_122 = tpu.vector_load %arg9[%get3A_120, %get3A_121] {strides = array<i32>} : memref<80x128xf32, #tpu.memory_space<vmem>>, vector<1x16xf32>,
        %get3A_123 = vector.shape_cast %get3A_122 : vector<1x16xf32> to vector<16xf32>
        %get3A_124 = arith.index_cast %scan3A_37 : i32 to index
        %get3A_125 = arith.constant 96 : index
        %get3A_126 = tpu.vector_load %arg10[%get3A_124, %get3A_125] {strides = array<i32>} : memref<80x128xf32, #tpu.memory_space<vmem>>, vector<1x16xf32>,
        %get3A_127 = vector.shape_cast %get3A_126 : vector<1x16xf32> to vector<16xf32>
        %add3A_128 = arith.addf %get3A_123, %get3A_127 : vector<16xf32>
        %swap3A_129 = arith.index_cast %scan3A_37 : i32 to index
        %swap3A_130 = arith.constant 96 : index
        %swap3A_131 = tpu.vector_load %arg9[%swap3A_129, %swap3A_130] {strides = array<i32>} : memref<80x128xf32, #tpu.memory_space<vmem>>, vector<1x16xf32>,
        %swap3A_132 = vector.shape_cast %swap3A_131 : vector<1x16xf32> to vector<16xf32>
        %swap3A_133 = vector.shape_cast %add3A_128 : vector<16xf32> to vector<1x16xf32>
        tpu.vector_store %arg9[%swap3A_129, %swap3A_130], %swap3A_133 {strides = array<i32>} : memref<80x128xf32, #tpu.memory_space<vmem>>, vector<1x16xf32>,
        %get3A_134 = arith.index_cast %scan3A_37 : i32 to index
        %get3A_135 = arith.constant 112 : index
        %get3A_136 = tpu.vector_load %arg9[%get3A_134, %get3A_135] {strides = array<i32>} : memref<80x128xf32, #tpu.memory_space<vmem>>, vector<1x16xf32>,
        %get3A_137 = vector.shape_cast %get3A_136 : vector<1x16xf32> to vector<16xf32>
        %get3A_138 = arith.index_cast %scan3A_37 : i32 to index
        %get3A_139 = arith.constant 112 : index
        %get3A_140 = tpu.vector_load %arg10[%get3A_138, %get3A_139] {strides = array<i32>} : memref<80x128xf32, #tpu.memory_space<vmem>>, vector<1x16xf32>,
        %get3A_141 = vector.shape_cast %get3A_140 : vector<1x16xf32> to vector<16xf32>
        %add3A_142 = arith.addf %get3A_137, %get3A_141 : vector<16xf32>
        %swap3A_143 = arith.index_cast %scan3A_37 : i32 to index
        %swap3A_144 = arith.constant 112 : index
        %swap3A_145 = tpu.vector_load %arg9[%swap3A_143, %swap3A_144] {strides = array<i32>} : memref<80x128xf32, #tpu.memory_space<vmem>>, vector<1x16xf32>,
        %swap3A_146 = vector.shape_cast %swap3A_145 : vector<1x16xf32> to vector<16xf32>
        %swap3A_147 = vector.shape_cast %add3A_142 : vector<16xf32> to vector<1x16xf32>
        tpu.vector_store %arg9[%swap3A_143, %swap3A_144], %swap3A_147 {strides = array<i32>} : memref<80x128xf32, #tpu.memory_space<vmem>>, vector<1x16xf32>,
      }
      %scan3A_36 = arith.constant 80 : i32
      "tpu.region"() ({
        %run_scoped3A = tpu.sem_alloc : memref<!tpu.dma_semaphore, #tpu.memory_space<semaphore_mem>>
        %dma_start3A_37 = arith.constant 0 : i32
        %dma_start3A_38 = tpu.memref_slice %arg6[%mul3A_21, %dma_start3A_37] : memref<10000x128xf32, #tpu.memory_space<hbm>> -> memref<80x128xf32, #tpu.memory_space<hbm>>
        %dma_start3A_39 = arith.constant 0 : i32
        %dma_start3A_40 = tpu.memref_slice %arg6[%mul3A_21, %dma_start3A_39] : memref<10000x128xf32, #tpu.memory_space<hbm>> -> memref<80x128xf32, #tpu.memory_space<hbm>>
        tpu.enqueue_dma source(%arg9 : memref<80x128xf32, #tpu.memory_space<vmem>>) target(%dma_start3A_40 : memref<80x128xf32, #tpu.memory_space<hbm>>) target_semaphore(%run_scoped3A : memref<!tpu.dma_semaphore, #tpu.memory_space<semaphore_mem>>)
        %dma_wait3A_41 = arith.constant 0 : i32
        %dma_wait3A_42 = tpu.memref_slice %arg6[%mul3A_21, %dma_wait3A_41] : memref<10000x128xf32, #tpu.memory_space<hbm>> -> memref<80x128xf32, #tpu.memory_space<hbm>>
        %dma_wait3A_43 = arith.constant 0 : i32
        %dma_wait3A_44 = tpu.memref_slice %arg6[%mul3A_21, %dma_wait3A_43] : memref<10000x128xf32, #tpu.memory_space<hbm>> -> memref<80x128xf32, #tpu.memory_space<hbm>>
        tpu.wait_dma2 semaphore(%run_scoped3A : memref<!tpu.dma_semaphore, #tpu.memory_space<semaphore_mem>>) src(%arg9 : memref<80x128xf32, #tpu.memory_space<vmem>>) dst(%dma_wait3A_44 : memref<80x128xf32, #tpu.memory_space<hbm>>)
        tpu.yield
      }) : () -> ()
    }
    %while3A_17 = arith.constant 1 : i32
    scf.for %while3A_18 = %while3A_15 to %while3A_11 step %while3A_17  : i32 {
      %add3A_19 = arith.addi %add3A_8, %while3A_18 : i32
      %mul3A_20 = arith.constant 80 : i32
      %mul3A_21 = arith.muli %add3A_19, %mul3A_20 : i32
      "tpu.region"() ({
        %run_scoped3A = tpu.sem_alloc : memref<!tpu.dma_semaphore, #tpu.memory_space<semaphore_mem>>
        %dma_start3A_37 = tpu.memref_slice %arg2[%mul3A_21] : memref<10000xi32, #tpu.memory_space<hbm>> -> memref<80xi32, #tpu.memory_space<hbm>>
        %dma_start3A_38 = tpu.memref_slice %arg2[%mul3A_21] : memref<10000xi32, #tpu.memory_space<hbm>> -> memref<80xi32, #tpu.memory_space<hbm>>
        tpu.enqueue_dma source(%dma_start3A_38 : memref<80xi32, #tpu.memory_space<hbm>>) target(%arg7 : memref<80xi32, #tpu.memory_space<vmem>>) target_semaphore(%run_scoped3A : memref<!tpu.dma_semaphore, #tpu.memory_space<semaphore_mem>>)
        %dma_wait3A_39 = tpu.memref_slice %arg2[%mul3A_21] : memref<10000xi32, #tpu.memory_space<hbm>> -> memref<80xi32, #tpu.memory_space<hbm>>
        %dma_wait3A_40 = tpu.memref_slice %arg2[%mul3A_21] : memref<10000xi32, #tpu.memory_space<hbm>> -> memref<80xi32, #tpu.memory_space<hbm>>
        tpu.wait_dma2 semaphore(%run_scoped3A : memref<!tpu.dma_semaphore, #tpu.memory_space<semaphore_mem>>) src(%dma_wait3A_40 : memref<80xi32, #tpu.memory_space<hbm>>) dst(%arg7 : memref<80xi32, #tpu.memory_space<vmem>>)
        tpu.yield
      }) : () -> ()
      "tpu.region"() ({
        %run_scoped3A = tpu.sem_alloc : memref<!tpu.dma_semaphore, #tpu.memory_space<semaphore_mem>>
        %dma_start3A_37 = tpu.memref_slice %arg3[%mul3A_21] : memref<10000xi32, #tpu.memory_space<hbm>> -> memref<80xi32, #tpu.memory_space<hbm>>
        %dma_start3A_38 = tpu.memref_slice %arg3[%mul3A_21] : memref<10000xi32, #tpu.memory_space<hbm>> -> memref<80xi32, #tpu.memory_space<hbm>>
        tpu.enqueue_dma source(%dma_start3A_38 : memref<80xi32, #tpu.memory_space<hbm>>) target(%arg8 : memref<80xi32, #tpu.memory_space<vmem>>) target_semaphore(%run_scoped3A : memref<!tpu.dma_semaphore, #tpu.memory_space<semaphore_mem>>)
        %dma_wait3A_39 = tpu.memref_slice %arg3[%mul3A_21] : memref<10000xi32, #tpu.memory_space<hbm>> -> memref<80xi32, #tpu.memory_space<hbm>>
        %dma_wait3A_40 = tpu.memref_slice %arg3[%mul3A_21] : memref<10000xi32, #tpu.memory_space<hbm>> -> memref<80xi32, #tpu.memory_space<hbm>>
        tpu.wait_dma2 semaphore(%run_scoped3A : memref<!tpu.dma_semaphore, #tpu.memory_space<semaphore_mem>>) src(%dma_wait3A_40 : memref<80xi32, #tpu.memory_space<hbm>>) dst(%arg8 : memref<80xi32, #tpu.memory_space<vmem>>)
        tpu.yield
      }) : () -> ()
      %dma_start3A = arith.constant 0 : i32
      %dma_start3A_22 = arith.constant 0 : i32
      %dma_start3A_23 = tpu.memref_slice %arg4[%dma_start3A, %dma_start3A_22] : memref<1001x128xf32, #tpu.memory_space<hbm>> -> memref<1001x128xf32, #tpu.memory_space<hbm>>
      tpu.enqueue_indirect_dma source(%dma_start3A_23 : memref<1001x128xf32, #tpu.memory_space<hbm>>) target(%arg9 : memref<80x128xf32, #tpu.memory_space<vmem>>) offsets(%arg7 : memref<80xi32, #tpu.memory_space<vmem>>) semaphore(%arg11 : memref<!tpu.dma_semaphore, #tpu.memory_space<semaphore_mem>>)
      %dma_start3A_24 = arith.constant 0 : i32
      %dma_start3A_25 = arith.constant 0 : i32
      %dma_start3A_26 = tpu.memref_slice %arg5[%dma_start3A_24, %dma_start3A_25] : memref<1001x128xf32, #tpu.memory_space<hbm>> -> memref<1001x128xf32, #tpu.memory_space<hbm>>
      tpu.enqueue_indirect_dma source(%dma_start3A_26 : memref<1001x128xf32, #tpu.memory_space<hbm>>) target(%arg10 : memref<80x128xf32, #tpu.memory_space<vmem>>) offsets(%arg8 : memref<80xi32, #tpu.memory_space<vmem>>) semaphore(%arg12 : memref<!tpu.dma_semaphore, #tpu.memory_space<semaphore_mem>>)
      %dma_wait3A = arith.constant 0 : i32
      %dma_wait3A_27 = arith.constant 0 : i32
      %dma_wait3A_28 = tpu.memref_slice %arg4[%dma_wait3A, %dma_wait3A_27] : memref<1001x128xf32, #tpu.memory_space<hbm>> -> memref<1001x128xf32, #tpu.memory_space<hbm>>
      tpu.wait_indirect_dma semaphore(%arg11 : memref<!tpu.dma_semaphore, #tpu.memory_space<semaphore_mem>>) src(%dma_wait3A_28 : memref<1001x128xf32, #tpu.memory_space<hbm>>) dst(%arg9 : memref<80x128xf32, #tpu.memory_space<vmem>>)
      %dma_wait3A_29 = arith.constant 0 : i32
      %dma_wait3A_30 = arith.constant 0 : i32
      %dma_wait3A_31 = tpu.memref_slice %arg5[%dma_wait3A_29, %dma_wait3A_30] : memref<1001x128xf32, #tpu.memory_space<hbm>> -> memref<1001x128xf32, #tpu.memory_space<hbm>>
      tpu.wait_indirect_dma semaphore(%arg12 : memref<!tpu.dma_semaphore, #tpu.memory_space<semaphore_mem>>) src(%dma_wait3A_31 : memref<1001x128xf32, #tpu.memory_space<hbm>>) dst(%arg10 : memref<80x128xf32, #tpu.memory_space<vmem>>)
      %scan3A = arith.constant 0 : i32
      %scan3A_32 = arith.constant 0 : i32
      %scan3A_33 = arith.constant 80 : i32
      %scan3A_34 = arith.addi %scan3A_32, %scan3A_33 : i32
      %scan3A_35 = arith.constant 1 : i32
      scf.for %scan3A_37 = %scan3A_32 to %scan3A_34 step %scan3A_35  : i32 {
        %get3A = arith.index_cast %scan3A_37 : i32 to index
        %get3A_38 = arith.constant 0 : index
        %get3A_39 = tpu.vector_load %arg9[%get3A, %get3A_38] {strides = array<i32>} : memref<80x128xf32, #tpu.memory_space<vmem>>, vector<1x16xf32>,
        %get3A_40 = vector.shape_cast %get3A_39 : vector<1x16xf32> to vector<16xf32>
        %get3A_41 = arith.index_cast %scan3A_37 : i32 to index
        %get3A_42 = arith.constant 0 : index
        %get3A_43 = tpu.vector_load %arg10[%get3A_41, %get3A_42] {strides = array<i32>} : memref<80x128xf32, #tpu.memory_space<vmem>>, vector<1x16xf32>,
        %get3A_44 = vector.shape_cast %get3A_43 : vector<1x16xf32> to vector<16xf32>
        %add3A_45 = arith.addf %get3A_40, %get3A_44 : vector<16xf32>
        %swap3A = arith.index_cast %scan3A_37 : i32 to index
        %swap3A_46 = arith.constant 0 : index
        %swap3A_47 = tpu.vector_load %arg9[%swap3A, %swap3A_46] {strides = array<i32>} : memref<80x128xf32, #tpu.memory_space<vmem>>, vector<1x16xf32>,
        %swap3A_48 = vector.shape_cast %swap3A_47 : vector<1x16xf32> to vector<16xf32>
        %swap3A_49 = vector.shape_cast %add3A_45 : vector<16xf32> to vector<1x16xf32>
        tpu.vector_store %arg9[%swap3A, %swap3A_46], %swap3A_49 {strides = array<i32>} : memref<80x128xf32, #tpu.memory_space<vmem>>, vector<1x16xf32>,
        %get3A_50 = arith.index_cast %scan3A_37 : i32 to index
        %get3A_51 = arith.constant 16 : index
        %get3A_52 = tpu.vector_load %arg9[%get3A_50, %get3A_51] {strides = array<i32>} : memref<80x128xf32, #tpu.memory_space<vmem>>, vector<1x16xf32>,
        %get3A_53 = vector.shape_cast %get3A_52 : vector<1x16xf32> to vector<16xf32>
        %get3A_54 = arith.index_cast %scan3A_37 : i32 to index
        %get3A_55 = arith.constant 16 : index
        %get3A_56 = tpu.vector_load %arg10[%get3A_54, %get3A_55] {strides = array<i32>} : memref<80x128xf32, #tpu.memory_space<vmem>>, vector<1x16xf32>,
        %get3A_57 = vector.shape_cast %get3A_56 : vector<1x16xf32> to vector<16xf32>
        %add3A_58 = arith.addf %get3A_53, %get3A_57 : vector<16xf32>
        %swap3A_59 = arith.index_cast %scan3A_37 : i32 to index
        %swap3A_60 = arith.constant 16 : index
        %swap3A_61 = tpu.vector_load %arg9[%swap3A_59, %swap3A_60] {strides = array<i32>} : memref<80x128xf32, #tpu.memory_space<vmem>>, vector<1x16xf32>,
        %swap3A_62 = vector.shape_cast %swap3A_61 : vector<1x16xf32> to vector<16xf32>
        %swap3A_63 = vector.shape_cast %add3A_58 : vector<16xf32> to vector<1x16xf32>
        tpu.vector_store %arg9[%swap3A_59, %swap3A_60], %swap3A_63 {strides = array<i32>} : memref<80x128xf32, #tpu.memory_space<vmem>>, vector<1x16xf32>,
        %get3A_64 = arith.index_cast %scan3A_37 : i32 to index
        %get3A_65 = arith.constant 32 : index
        %get3A_66 = tpu.vector_load %arg9[%get3A_64, %get3A_65] {strides = array<i32>} : memref<80x128xf32, #tpu.memory_space<vmem>>, vector<1x16xf32>,
        %get3A_67 = vector.shape_cast %get3A_66 : vector<1x16xf32> to vector<16xf32>
        %get3A_68 = arith.index_cast %scan3A_37 : i32 to index
        %get3A_69 = arith.constant 32 : index
        %get3A_70 = tpu.vector_load %arg10[%get3A_68, %get3A_69] {strides = array<i32>} : memref<80x128xf32, #tpu.memory_space<vmem>>, vector<1x16xf32>,
        %get3A_71 = vector.shape_cast %get3A_70 : vector<1x16xf32> to vector<16xf32>
        %add3A_72 = arith.addf %get3A_67, %get3A_71 : vector<16xf32>
        %swap3A_73 = arith.index_cast %scan3A_37 : i32 to index
        %swap3A_74 = arith.constant 32 : index
        %swap3A_75 = tpu.vector_load %arg9[%swap3A_73, %swap3A_74] {strides = array<i32>} : memref<80x128xf32, #tpu.memory_space<vmem>>, vector<1x16xf32>,
        %swap3A_76 = vector.shape_cast %swap3A_75 : vector<1x16xf32> to vector<16xf32>
        %swap3A_77 = vector.shape_cast %add3A_72 : vector<16xf32> to vector<1x16xf32>
        tpu.vector_store %arg9[%swap3A_73, %swap3A_74], %swap3A_77 {strides = array<i32>} : memref<80x128xf32, #tpu.memory_space<vmem>>, vector<1x16xf32>,
        %get3A_78 = arith.index_cast %scan3A_37 : i32 to index
        %get3A_79 = arith.constant 48 : index
        %get3A_80 = tpu.vector_load %arg9[%get3A_78, %get3A_79] {strides = array<i32>} : memref<80x128xf32, #tpu.memory_space<vmem>>, vector<1x16xf32>,
        %get3A_81 = vector.shape_cast %get3A_80 : vector<1x16xf32> to vector<16xf32>
        %get3A_82 = arith.index_cast %scan3A_37 : i32 to index
        %get3A_83 = arith.constant 48 : index
        %get3A_84 = tpu.vector_load %arg10[%get3A_82, %get3A_83] {strides = array<i32>} : memref<80x128xf32, #tpu.memory_space<vmem>>, vector<1x16xf32>,
        %get3A_85 = vector.shape_cast %get3A_84 : vector<1x16xf32> to vector<16xf32>
        %add3A_86 = arith.addf %get3A_81, %get3A_85 : vector<16xf32>
        %swap3A_87 = arith.index_cast %scan3A_37 : i32 to index
        %swap3A_88 = arith.constant 48 : index
        %swap3A_89 = tpu.vector_load %arg9[%swap3A_87, %swap3A_88] {strides = array<i32>} : memref<80x128xf32, #tpu.memory_space<vmem>>, vector<1x16xf32>,
        %swap3A_90 = vector.shape_cast %swap3A_89 : vector<1x16xf32> to vector<16xf32>
        %swap3A_91 = vector.shape_cast %add3A_86 : vector<16xf32> to vector<1x16xf32>
        tpu.vector_store %arg9[%swap3A_87, %swap3A_88], %swap3A_91 {strides = array<i32>} : memref<80x128xf32, #tpu.memory_space<vmem>>, vector<1x16xf32>,
        %get3A_92 = arith.index_cast %scan3A_37 : i32 to index
        %get3A_93 = arith.constant 64 : index
        %get3A_94 = tpu.vector_load %arg9[%get3A_92, %get3A_93] {strides = array<i32>} : memref<80x128xf32, #tpu.memory_space<vmem>>, vector<1x16xf32>,
        %get3A_95 = vector.shape_cast %get3A_94 : vector<1x16xf32> to vector<16xf32>
        %get3A_96 = arith.index_cast %scan3A_37 : i32 to index
        %get3A_97 = arith.constant 64 : index
        %get3A_98 = tpu.vector_load %arg10[%get3A_96, %get3A_97] {strides = array<i32>} : memref<80x128xf32, #tpu.memory_space<vmem>>, vector<1x16xf32>,
        %get3A_99 = vector.shape_cast %get3A_98 : vector<1x16xf32> to vector<16xf32>
        %add3A_100 = arith.addf %get3A_95, %get3A_99 : vector<16xf32>
        %swap3A_101 = arith.index_cast %scan3A_37 : i32 to index
        %swap3A_102 = arith.constant 64 : index
        %swap3A_103 = tpu.vector_load %arg9[%swap3A_101, %swap3A_102] {strides = array<i32>} : memref<80x128xf32, #tpu.memory_space<vmem>>, vector<1x16xf32>,
        %swap3A_104 = vector.shape_cast %swap3A_103 : vector<1x16xf32> to vector<16xf32>
        %swap3A_105 = vector.shape_cast %add3A_100 : vector<16xf32> to vector<1x16xf32>
        tpu.vector_store %arg9[%swap3A_101, %swap3A_102], %swap3A_105 {strides = array<i32>} : memref<80x128xf32, #tpu.memory_space<vmem>>, vector<1x16xf32>,
        %get3A_106 = arith.index_cast %scan3A_37 : i32 to index
        %get3A_107 = arith.constant 80 : index
        %get3A_108 = tpu.vector_load %arg9[%get3A_106, %get3A_107] {strides = array<i32>} : memref<80x128xf32, #tpu.memory_space<vmem>>, vector<1x16xf32>,
        %get3A_109 = vector.shape_cast %get3A_108 : vector<1x16xf32> to vector<16xf32>
        %get3A_110 = arith.index_cast %scan3A_37 : i32 to index
        %get3A_111 = arith.constant 80 : index
        %get3A_112 = tpu.vector_load %arg10[%get3A_110, %get3A_111] {strides = array<i32>} : memref<80x128xf32, #tpu.memory_space<vmem>>, vector<1x16xf32>,
        %get3A_113 = vector.shape_cast %get3A_112 : vector<1x16xf32> to vector<16xf32>
        %add3A_114 = arith.addf %get3A_109, %get3A_113 : vector<16xf32>
        %swap3A_115 = arith.index_cast %scan3A_37 : i32 to index
        %swap3A_116 = arith.constant 80 : index
        %swap3A_117 = tpu.vector_load %arg9[%swap3A_115, %swap3A_116] {strides = array<i32>} : memref<80x128xf32, #tpu.memory_space<vmem>>, vector<1x16xf32>,
        %swap3A_118 = vector.shape_cast %swap3A_117 : vector<1x16xf32> to vector<16xf32>
        %swap3A_119 = vector.shape_cast %add3A_114 : vector<16xf32> to vector<1x16xf32>
        tpu.vector_store %arg9[%swap3A_115, %swap3A_116], %swap3A_119 {strides = array<i32>} : memref<80x128xf32, #tpu.memory_space<vmem>>, vector<1x16xf32>,
        %get3A_120 = arith.index_cast %scan3A_37 : i32 to index
        %get3A_121 = arith.constant 96 : index
        %get3A_122 = tpu.vector_load %arg9[%get3A_120, %get3A_121] {strides = array<i32>} : memref<80x128xf32, #tpu.memory_space<vmem>>, vector<1x16xf32>,
        %get3A_123 = vector.shape_cast %get3A_122 : vector<1x16xf32> to vector<16xf32>
        %get3A_124 = arith.index_cast %scan3A_37 : i32 to index
        %get3A_125 = arith.constant 96 : index
        %get3A_126 = tpu.vector_load %arg10[%get3A_124, %get3A_125] {strides = array<i32>} : memref<80x128xf32, #tpu.memory_space<vmem>>, vector<1x16xf32>,
        %get3A_127 = vector.shape_cast %get3A_126 : vector<1x16xf32> to vector<16xf32>
        %add3A_128 = arith.addf %get3A_123, %get3A_127 : vector<16xf32>
        %swap3A_129 = arith.index_cast %scan3A_37 : i32 to index
        %swap3A_130 = arith.constant 96 : index
        %swap3A_131 = tpu.vector_load %arg9[%swap3A_129, %swap3A_130] {strides = array<i32>} : memref<80x128xf32, #tpu.memory_space<vmem>>, vector<1x16xf32>,
        %swap3A_132 = vector.shape_cast %swap3A_131 : vector<1x16xf32> to vector<16xf32>
        %swap3A_133 = vector.shape_cast %add3A_128 : vector<16xf32> to vector<1x16xf32>
        tpu.vector_store %arg9[%swap3A_129, %swap3A_130], %swap3A_133 {strides = array<i32>} : memref<80x128xf32, #tpu.memory_space<vmem>>, vector<1x16xf32>,
        %get3A_134 = arith.index_cast %scan3A_37 : i32 to index
        %get3A_135 = arith.constant 112 : index
        %get3A_136 = tpu.vector_load %arg9[%get3A_134, %get3A_135] {strides = array<i32>} : memref<80x128xf32, #tpu.memory_space<vmem>>, vector<1x16xf32>,
        %get3A_137 = vector.shape_cast %get3A_136 : vector<1x16xf32> to vector<16xf32>
        %get3A_138 = arith.index_cast %scan3A_37 : i32 to index
        %get3A_139 = arith.constant 112 : index
        %get3A_140 = tpu.vector_load %arg10[%get3A_138, %get3A_139] {strides = array<i32>} : memref<80x128xf32, #tpu.memory_space<vmem>>, vector<1x16xf32>,
        %get3A_141 = vector.shape_cast %get3A_140 : vector<1x16xf32> to vector<16xf32>
        %add3A_142 = arith.addf %get3A_137, %get3A_141 : vector<16xf32>
        %swap3A_143 = arith.index_cast %scan3A_37 : i32 to index
        %swap3A_144 = arith.constant 112 : index
        %swap3A_145 = tpu.vector_load %arg9[%swap3A_143, %swap3A_144] {strides = array<i32>} : memref<80x128xf32, #tpu.memory_space<vmem>>, vector<1x16xf32>,
        %swap3A_146 = vector.shape_cast %swap3A_145 : vector<1x16xf32> to vector<16xf32>
        %swap3A_147 = vector.shape_cast %add3A_142 : vector<16xf32> to vector<1x16xf32>
        tpu.vector_store %arg9[%swap3A_143, %swap3A_144], %swap3A_147 {strides = array<i32>} : memref<80x128xf32, #tpu.memory_space<vmem>>, vector<1x16xf32>,
      }
      %scan3A_36 = arith.constant 80 : i32
      "tpu.region"() ({
        %run_scoped3A = tpu.sem_alloc : memref<!tpu.dma_semaphore, #tpu.memory_space<semaphore_mem>>
        %dma_start3A_37 = arith.constant 0 : i32
        %dma_start3A_38 = tpu.memref_slice %arg6[%mul3A_21, %dma_start3A_37] : memref<10000x128xf32, #tpu.memory_space<hbm>> -> memref<80x128xf32, #tpu.memory_space<hbm>>
        %dma_start3A_39 = arith.constant 0 : i32
        %dma_start3A_40 = tpu.memref_slice %arg6[%mul3A_21, %dma_start3A_39] : memref<10000x128xf32, #tpu.memory_space<hbm>> -> memref<80x128xf32, #tpu.memory_space<hbm>>
        tpu.enqueue_dma source(%arg9 : memref<80x128xf32, #tpu.memory_space<vmem>>) target(%dma_start3A_40 : memref<80x128xf32, #tpu.memory_space<hbm>>) target_semaphore(%run_scoped3A : memref<!tpu.dma_semaphore, #tpu.memory_space<semaphore_mem>>)
        %dma_wait3A_41 = arith.constant 0 : i32
        %dma_wait3A_42 = tpu.memref_slice %arg6[%mul3A_21, %dma_wait3A_41] : memref<10000x128xf32, #tpu.memory_space<hbm>> -> memref<80x128xf32, #tpu.memory_space<hbm>>
        %dma_wait3A_43 = arith.constant 0 : i32
        %dma_wait3A_44 = tpu.memref_slice %arg6[%mul3A_21, %dma_wait3A_43] : memref<10000x128xf32, #tpu.memory_space<hbm>> -> memref<80x128xf32, #tpu.memory_space<hbm>>
        tpu.wait_dma2 semaphore(%run_scoped3A : memref<!tpu.dma_semaphore, #tpu.memory_space<semaphore_mem>>) src(%arg9 : memref<80x128xf32, #tpu.memory_space<vmem>>) dst(%dma_wait3A_44 : memref<80x128xf32, #tpu.memory_space<hbm>>)
        tpu.yield
      }) : () -> ()
    }
    return
  }
}

#map = affine_map<(d0, d1) -> (0, 0)>
#map1 = affine_map<(d0, d1) -> (0)>
#map2 = affine_map<(d0, d1) -> (0, 0, 0)>
module attributes {stable_mosaic.version = 14 : i64} {
  func.func @_edge_agg(%arg0: i32, %arg1: i32, %arg2: memref<10000x128xf32, #tpu.memory_space<hbm>>, %arg3: memref<376832xi32, #tpu.memory_space<hbm>>, %arg4: memref<376832xi32, #tpu.memory_space<hbm>>, %arg5: memref<2x10000x128xf32, #tpu.memory_space<hbm>>, %arg6: memref<5888xi32, #tpu.memory_space<vmem>>, %arg7: memref<5888xi32, #tpu.memory_space<vmem>>, %arg8: memref<112x128xf32, #tpu.memory_space<vmem>>, %arg9: memref<112x128xf32, #tpu.memory_space<vmem>>, %arg10: memref<10008x128xf32, #tpu.memory_space<vmem_shared>>, %arg11: memref<!tpu.dma_semaphore, #tpu.memory_space<semaphore_mem>>, %arg12: memref<!tpu.dma_semaphore, #tpu.memory_space<semaphore_mem>>) attributes {dimension_semantics = [#tpu.dimension_semantics<core_parallel>, #tpu.dimension_semantics<subcore_parallel>], iteration_bounds = array<i64: 2, 16>, scalar_prefetch = 0 : i64, scratch_operands = 7 : i64, tpu.core_type = #tpu.core_type<sc_vector_subcore>, window_params = [{transform_indices = #map}, {transform_indices = #map1}, {transform_indices = #map1}, {transform_indices = #map2}]} {
    %mul3A = arith.constant 2 : i32
    %mul3A_0 = arith.muli %arg1, %mul3A : i32
    %add3A = arith.addi %mul3A_0, %arg0 : i32
    %broadcast_in_dim3A = arith.constant 0.000000e+00 : f32
    %broadcast_in_dim3A_1 = vector.broadcast %broadcast_in_dim3A : f32 to vector<16xf32>
    %scan3A = arith.constant 0 : i32
    %scan3A_2 = arith.constant 0 : i32
    %scan3A_3 = arith.constant 78 : i32
    %scan3A_4 = arith.addi %scan3A_2, %scan3A_3 : i32
    %scan3A_5 = arith.constant 1 : i32
    scf.for %scan3A_100 = %scan3A_2 to %scan3A_4 step %scan3A_5  : i32 {
      %swap3A = arith.index_cast %scan3A_100 : i32 to index
      %swap3A_101 = arith.constant 0 : index
      %swap3A_102 = tpu.vector_load %arg8[%swap3A, %swap3A_101] {strides = array<i32>} : memref<112x128xf32, #tpu.memory_space<vmem>>, vector<1x16xf32>,
      %swap3A_103 = vector.shape_cast %swap3A_102 : vector<1x16xf32> to vector<16xf32>
      %swap3A_104 = vector.shape_cast %broadcast_in_dim3A_1 : vector<16xf32> to vector<1x16xf32>
      tpu.vector_store %arg8[%swap3A, %swap3A_101], %swap3A_104 {strides = array<i32>} : memref<112x128xf32, #tpu.memory_space<vmem>>, vector<1x16xf32>,
      %swap3A_105 = arith.index_cast %scan3A_100 : i32 to index
      %swap3A_106 = arith.constant 16 : index
      %swap3A_107 = tpu.vector_load %arg8[%swap3A_105, %swap3A_106] {strides = array<i32>} : memref<112x128xf32, #tpu.memory_space<vmem>>, vector<1x16xf32>,
      %swap3A_108 = vector.shape_cast %swap3A_107 : vector<1x16xf32> to vector<16xf32>
      %swap3A_109 = vector.shape_cast %broadcast_in_dim3A_1 : vector<16xf32> to vector<1x16xf32>
      tpu.vector_store %arg8[%swap3A_105, %swap3A_106], %swap3A_109 {strides = array<i32>} : memref<112x128xf32, #tpu.memory_space<vmem>>, vector<1x16xf32>,
      %swap3A_110 = arith.index_cast %scan3A_100 : i32 to index
      %swap3A_111 = arith.constant 32 : index
      %swap3A_112 = tpu.vector_load %arg8[%swap3A_110, %swap3A_111] {strides = array<i32>} : memref<112x128xf32, #tpu.memory_space<vmem>>, vector<1x16xf32>,
      %swap3A_113 = vector.shape_cast %swap3A_112 : vector<1x16xf32> to vector<16xf32>
      %swap3A_114 = vector.shape_cast %broadcast_in_dim3A_1 : vector<16xf32> to vector<1x16xf32>
      tpu.vector_store %arg8[%swap3A_110, %swap3A_111], %swap3A_114 {strides = array<i32>} : memref<112x128xf32, #tpu.memory_space<vmem>>, vector<1x16xf32>,
      %swap3A_115 = arith.index_cast %scan3A_100 : i32 to index
      %swap3A_116 = arith.constant 48 : index
      %swap3A_117 = tpu.vector_load %arg8[%swap3A_115, %swap3A_116] {strides = array<i32>} : memref<112x128xf32, #tpu.memory_space<vmem>>, vector<1x16xf32>,
      %swap3A_118 = vector.shape_cast %swap3A_117 : vector<1x16xf32> to vector<16xf32>
      %swap3A_119 = vector.shape_cast %broadcast_in_dim3A_1 : vector<16xf32> to vector<1x16xf32>
      tpu.vector_store %arg8[%swap3A_115, %swap3A_116], %swap3A_119 {strides = array<i32>} : memref<112x128xf32, #tpu.memory_space<vmem>>, vector<1x16xf32>,
      %swap3A_120 = arith.index_cast %scan3A_100 : i32 to index
      %swap3A_121 = arith.constant 64 : index
      %swap3A_122 = tpu.vector_load %arg8[%swap3A_120, %swap3A_121] {strides = array<i32>} : memref<112x128xf32, #tpu.memory_space<vmem>>, vector<1x16xf32>,
      %swap3A_123 = vector.shape_cast %swap3A_122 : vector<1x16xf32> to vector<16xf32>
      %swap3A_124 = vector.shape_cast %broadcast_in_dim3A_1 : vector<16xf32> to vector<1x16xf32>
      tpu.vector_store %arg8[%swap3A_120, %swap3A_121], %swap3A_124 {strides = array<i32>} : memref<112x128xf32, #tpu.memory_space<vmem>>, vector<1x16xf32>,
      %swap3A_125 = arith.index_cast %scan3A_100 : i32 to index
      %swap3A_126 = arith.constant 80 : index
      %swap3A_127 = tpu.vector_load %arg8[%swap3A_125, %swap3A_126] {strides = array<i32>} : memref<112x128xf32, #tpu.memory_space<vmem>>, vector<1x16xf32>,
      %swap3A_128 = vector.shape_cast %swap3A_127 : vector<1x16xf32> to vector<16xf32>
      %swap3A_129 = vector.shape_cast %broadcast_in_dim3A_1 : vector<16xf32> to vector<1x16xf32>
      tpu.vector_store %arg8[%swap3A_125, %swap3A_126], %swap3A_129 {strides = array<i32>} : memref<112x128xf32, #tpu.memory_space<vmem>>, vector<1x16xf32>,
      %swap3A_130 = arith.index_cast %scan3A_100 : i32 to index
      %swap3A_131 = arith.constant 96 : index
      %swap3A_132 = tpu.vector_load %arg8[%swap3A_130, %swap3A_131] {strides = array<i32>} : memref<112x128xf32, #tpu.memory_space<vmem>>, vector<1x16xf32>,
      %swap3A_133 = vector.shape_cast %swap3A_132 : vector<1x16xf32> to vector<16xf32>
      %swap3A_134 = vector.shape_cast %broadcast_in_dim3A_1 : vector<16xf32> to vector<1x16xf32>
      tpu.vector_store %arg8[%swap3A_130, %swap3A_131], %swap3A_134 {strides = array<i32>} : memref<112x128xf32, #tpu.memory_space<vmem>>, vector<1x16xf32>,
      %swap3A_135 = arith.index_cast %scan3A_100 : i32 to index
      %swap3A_136 = arith.constant 112 : index
      %swap3A_137 = tpu.vector_load %arg8[%swap3A_135, %swap3A_136] {strides = array<i32>} : memref<112x128xf32, #tpu.memory_space<vmem>>, vector<1x16xf32>,
      %swap3A_138 = vector.shape_cast %swap3A_137 : vector<1x16xf32> to vector<16xf32>
      %swap3A_139 = vector.shape_cast %broadcast_in_dim3A_1 : vector<16xf32> to vector<1x16xf32>
      tpu.vector_store %arg8[%swap3A_135, %swap3A_136], %swap3A_139 {strides = array<i32>} : memref<112x128xf32, #tpu.memory_space<vmem>>, vector<1x16xf32>,
    }
    %scan3A_6 = arith.constant 78 : i32
    %mul3A_7 = arith.constant 624 : i32
    %mul3A_8 = arith.muli %arg1, %mul3A_7 : i32
    %add3A_9 = arith.constant 0 : i32
    %add3A_10 = arith.addi %mul3A_8, %add3A_9 : i32
    "tpu.region"() ({
      %run_scoped3A = tpu.sem_alloc : memref<!tpu.dma_semaphore, #tpu.memory_space<semaphore_mem>>
      %dma_start3A_100 = arith.constant 0 : i32
      %dma_start3A_101 = arith.constant 0 : i32
      %dma_start3A_102 = tpu.memref_slice %arg8[%dma_start3A_100, %dma_start3A_101] : memref<112x128xf32, #tpu.memory_space<vmem>> -> memref<78x128xf32, #tpu.memory_space<vmem>>
      %dma_start3A_103 = arith.constant 0 : i32
      %dma_start3A_104 = tpu.memref_slice %arg10[%add3A_10, %dma_start3A_103] : memref<10008x128xf32, #tpu.memory_space<vmem_shared>> -> memref<78x128xf32, #tpu.memory_space<vmem_shared>>
      %dma_start3A_105 = arith.constant 0 : i32
      %dma_start3A_106 = tpu.memref_slice %arg10[%add3A_10, %dma_start3A_105] : memref<10008x128xf32, #tpu.memory_space<vmem_shared>> -> memref<78x128xf32, #tpu.memory_space<vmem_shared>>
      %dma_start3A_107 = arith.constant 0 : i32
      %dma_start3A_108 = arith.constant 0 : i32
      %dma_start3A_109 = tpu.memref_slice %arg8[%dma_start3A_107, %dma_start3A_108] : memref<112x128xf32, #tpu.memory_space<vmem>> -> memref<78x128xf32, #tpu.memory_space<vmem>>
      tpu.enqueue_dma source(%dma_start3A_109 : memref<78x128xf32, #tpu.memory_space<vmem>>) target(%dma_start3A_106 : memref<78x128xf32, #tpu.memory_space<vmem_shared>>) target_semaphore(%run_scoped3A : memref<!tpu.dma_semaphore, #tpu.memory_space<semaphore_mem>>)
      %dma_wait3A = arith.constant 0 : i32
      %dma_wait3A_110 = arith.constant 0 : i32
      %dma_wait3A_111 = tpu.memref_slice %arg8[%dma_wait3A, %dma_wait3A_110] : memref<112x128xf32, #tpu.memory_space<vmem>> -> memref<78x128xf32, #tpu.memory_space<vmem>>
      %dma_wait3A_112 = arith.constant 0 : i32
      %dma_wait3A_113 = tpu.memref_slice %arg10[%add3A_10, %dma_wait3A_112] : memref<10008x128xf32, #tpu.memory_space<vmem_shared>> -> memref<78x128xf32, #tpu.memory_space<vmem_shared>>
      %dma_wait3A_114 = arith.constant 0 : i32
      %dma_wait3A_115 = tpu.memref_slice %arg10[%add3A_10, %dma_wait3A_114] : memref<10008x128xf32, #tpu.memory_space<vmem_shared>> -> memref<78x128xf32, #tpu.memory_space<vmem_shared>>
      %dma_wait3A_116 = arith.constant 0 : i32
      %dma_wait3A_117 = arith.constant 0 : i32
      %dma_wait3A_118 = tpu.memref_slice %arg8[%dma_wait3A_116, %dma_wait3A_117] : memref<112x128xf32, #tpu.memory_space<vmem>> -> memref<78x128xf32, #tpu.memory_space<vmem>>
      tpu.wait_dma2 semaphore(%run_scoped3A : memref<!tpu.dma_semaphore, #tpu.memory_space<semaphore_mem>>) src(%dma_wait3A_118 : memref<78x128xf32, #tpu.memory_space<vmem>>) dst(%dma_wait3A_115 : memref<78x128xf32, #tpu.memory_space<vmem_shared>>)
      tpu.yield
    }) : () -> ()
    %mul3A_11 = arith.constant 624 : i32
    %mul3A_12 = arith.muli %arg1, %mul3A_11 : i32
    %add3A_13 = arith.constant 78 : i32
    %add3A_14 = arith.addi %mul3A_12, %add3A_13 : i32
    "tpu.region"() ({
      %run_scoped3A = tpu.sem_alloc : memref<!tpu.dma_semaphore, #tpu.memory_space<semaphore_mem>>
      %dma_start3A_100 = arith.constant 0 : i32
      %dma_start3A_101 = arith.constant 0 : i32
      %dma_start3A_102 = tpu.memref_slice %arg8[%dma_start3A_100, %dma_start3A_101] : memref<112x128xf32, #tpu.memory_space<vmem>> -> memref<78x128xf32, #tpu.memory_space<vmem>>
      %dma_start3A_103 = arith.constant 0 : i32
      %dma_start3A_104 = tpu.memref_slice %arg10[%add3A_14, %dma_start3A_103] : memref<10008x128xf32, #tpu.memory_space<vmem_shared>> -> memref<78x128xf32, #tpu.memory_space<vmem_shared>>
      %dma_start3A_105 = arith.constant 0 : i32
      %dma_start3A_106 = tpu.memref_slice %arg10[%add3A_14, %dma_start3A_105] : memref<10008x128xf32, #tpu.memory_space<vmem_shared>> -> memref<78x128xf32, #tpu.memory_space<vmem_shared>>
      %dma_start3A_107 = arith.constant 0 : i32
      %dma_start3A_108 = arith.constant 0 : i32
      %dma_start3A_109 = tpu.memref_slice %arg8[%dma_start3A_107, %dma_start3A_108] : memref<112x128xf32, #tpu.memory_space<vmem>> -> memref<78x128xf32, #tpu.memory_space<vmem>>
      tpu.enqueue_dma source(%dma_start3A_109 : memref<78x128xf32, #tpu.memory_space<vmem>>) target(%dma_start3A_106 : memref<78x128xf32, #tpu.memory_space<vmem_shared>>) target_semaphore(%run_scoped3A : memref<!tpu.dma_semaphore, #tpu.memory_space<semaphore_mem>>)
      %dma_wait3A = arith.constant 0 : i32
      %dma_wait3A_110 = arith.constant 0 : i32
      %dma_wait3A_111 = tpu.memref_slice %arg8[%dma_wait3A, %dma_wait3A_110] : memref<112x128xf32, #tpu.memory_space<vmem>> -> memref<78x128xf32, #tpu.memory_space<vmem>>
      %dma_wait3A_112 = arith.constant 0 : i32
      %dma_wait3A_113 = tpu.memref_slice %arg10[%add3A_14, %dma_wait3A_112] : memref<10008x128xf32, #tpu.memory_space<vmem_shared>> -> memref<78x128xf32, #tpu.memory_space<vmem_shared>>
      %dma_wait3A_114 = arith.constant 0 : i32
      %dma_wait3A_115 = tpu.memref_slice %arg10[%add3A_14, %dma_wait3A_114] : memref<10008x128xf32, #tpu.memory_space<vmem_shared>> -> memref<78x128xf32, #tpu.memory_space<vmem_shared>>
      %dma_wait3A_116 = arith.constant 0 : i32
      %dma_wait3A_117 = arith.constant 0 : i32
      %dma_wait3A_118 = tpu.memref_slice %arg8[%dma_wait3A_116, %dma_wait3A_117] : memref<112x128xf32, #tpu.memory_space<vmem>> -> memref<78x128xf32, #tpu.memory_space<vmem>>
      tpu.wait_dma2 semaphore(%run_scoped3A : memref<!tpu.dma_semaphore, #tpu.memory_space<semaphore_mem>>) src(%dma_wait3A_118 : memref<78x128xf32, #tpu.memory_space<vmem>>) dst(%dma_wait3A_115 : memref<78x128xf32, #tpu.memory_space<vmem_shared>>)
      tpu.yield
    }) : () -> ()
    %mul3A_15 = arith.constant 624 : i32
    %mul3A_16 = arith.muli %arg1, %mul3A_15 : i32
    %add3A_17 = arith.constant 156 : i32
    %add3A_18 = arith.addi %mul3A_16, %add3A_17 : i32
    "tpu.region"() ({
      %run_scoped3A = tpu.sem_alloc : memref<!tpu.dma_semaphore, #tpu.memory_space<semaphore_mem>>
      %dma_start3A_100 = arith.constant 0 : i32
      %dma_start3A_101 = arith.constant 0 : i32
      %dma_start3A_102 = tpu.memref_slice %arg8[%dma_start3A_100, %dma_start3A_101] : memref<112x128xf32, #tpu.memory_space<vmem>> -> memref<78x128xf32, #tpu.memory_space<vmem>>
      %dma_start3A_103 = arith.constant 0 : i32
      %dma_start3A_104 = tpu.memref_slice %arg10[%add3A_18, %dma_start3A_103] : memref<10008x128xf32, #tpu.memory_space<vmem_shared>> -> memref<78x128xf32, #tpu.memory_space<vmem_shared>>
      %dma_start3A_105 = arith.constant 0 : i32
      %dma_start3A_106 = tpu.memref_slice %arg10[%add3A_18, %dma_start3A_105] : memref<10008x128xf32, #tpu.memory_space<vmem_shared>> -> memref<78x128xf32, #tpu.memory_space<vmem_shared>>
      %dma_start3A_107 = arith.constant 0 : i32
      %dma_start3A_108 = arith.constant 0 : i32
      %dma_start3A_109 = tpu.memref_slice %arg8[%dma_start3A_107, %dma_start3A_108] : memref<112x128xf32, #tpu.memory_space<vmem>> -> memref<78x128xf32, #tpu.memory_space<vmem>>
      tpu.enqueue_dma source(%dma_start3A_109 : memref<78x128xf32, #tpu.memory_space<vmem>>) target(%dma_start3A_106 : memref<78x128xf32, #tpu.memory_space<vmem_shared>>) target_semaphore(%run_scoped3A : memref<!tpu.dma_semaphore, #tpu.memory_space<semaphore_mem>>)
      %dma_wait3A = arith.constant 0 : i32
      %dma_wait3A_110 = arith.constant 0 : i32
      %dma_wait3A_111 = tpu.memref_slice %arg8[%dma_wait3A, %dma_wait3A_110] : memref<112x128xf32, #tpu.memory_space<vmem>> -> memref<78x128xf32, #tpu.memory_space<vmem>>
      %dma_wait3A_112 = arith.constant 0 : i32
      %dma_wait3A_113 = tpu.memref_slice %arg10[%add3A_18, %dma_wait3A_112] : memref<10008x128xf32, #tpu.memory_space<vmem_shared>> -> memref<78x128xf32, #tpu.memory_space<vmem_shared>>
      %dma_wait3A_114 = arith.constant 0 : i32
      %dma_wait3A_115 = tpu.memref_slice %arg10[%add3A_18, %dma_wait3A_114] : memref<10008x128xf32, #tpu.memory_space<vmem_shared>> -> memref<78x128xf32, #tpu.memory_space<vmem_shared>>
      %dma_wait3A_116 = arith.constant 0 : i32
      %dma_wait3A_117 = arith.constant 0 : i32
      %dma_wait3A_118 = tpu.memref_slice %arg8[%dma_wait3A_116, %dma_wait3A_117] : memref<112x128xf32, #tpu.memory_space<vmem>> -> memref<78x128xf32, #tpu.memory_space<vmem>>
      tpu.wait_dma2 semaphore(%run_scoped3A : memref<!tpu.dma_semaphore, #tpu.memory_space<semaphore_mem>>) src(%dma_wait3A_118 : memref<78x128xf32, #tpu.memory_space<vmem>>) dst(%dma_wait3A_115 : memref<78x128xf32, #tpu.memory_space<vmem_shared>>)
      tpu.yield
    }) : () -> ()
    %mul3A_19 = arith.constant 624 : i32
    %mul3A_20 = arith.muli %arg1, %mul3A_19 : i32
    %add3A_21 = arith.constant 234 : i32
    %add3A_22 = arith.addi %mul3A_20, %add3A_21 : i32
    "tpu.region"() ({
      %run_scoped3A = tpu.sem_alloc : memref<!tpu.dma_semaphore, #tpu.memory_space<semaphore_mem>>
      %dma_start3A_100 = arith.constant 0 : i32
      %dma_start3A_101 = arith.constant 0 : i32
      %dma_start3A_102 = tpu.memref_slice %arg8[%dma_start3A_100, %dma_start3A_101] : memref<112x128xf32, #tpu.memory_space<vmem>> -> memref<78x128xf32, #tpu.memory_space<vmem>>
      %dma_start3A_103 = arith.constant 0 : i32
      %dma_start3A_104 = tpu.memref_slice %arg10[%add3A_22, %dma_start3A_103] : memref<10008x128xf32, #tpu.memory_space<vmem_shared>> -> memref<78x128xf32, #tpu.memory_space<vmem_shared>>
      %dma_start3A_105 = arith.constant 0 : i32
      %dma_start3A_106 = tpu.memref_slice %arg10[%add3A_22, %dma_start3A_105] : memref<10008x128xf32, #tpu.memory_space<vmem_shared>> -> memref<78x128xf32, #tpu.memory_space<vmem_shared>>
      %dma_start3A_107 = arith.constant 0 : i32
      %dma_start3A_108 = arith.constant 0 : i32
      %dma_start3A_109 = tpu.memref_slice %arg8[%dma_start3A_107, %dma_start3A_108] : memref<112x128xf32, #tpu.memory_space<vmem>> -> memref<78x128xf32, #tpu.memory_space<vmem>>
      tpu.enqueue_dma source(%dma_start3A_109 : memref<78x128xf32, #tpu.memory_space<vmem>>) target(%dma_start3A_106 : memref<78x128xf32, #tpu.memory_space<vmem_shared>>) target_semaphore(%run_scoped3A : memref<!tpu.dma_semaphore, #tpu.memory_space<semaphore_mem>>)
      %dma_wait3A = arith.constant 0 : i32
      %dma_wait3A_110 = arith.constant 0 : i32
      %dma_wait3A_111 = tpu.memref_slice %arg8[%dma_wait3A, %dma_wait3A_110] : memref<112x128xf32, #tpu.memory_space<vmem>> -> memref<78x128xf32, #tpu.memory_space<vmem>>
      %dma_wait3A_112 = arith.constant 0 : i32
      %dma_wait3A_113 = tpu.memref_slice %arg10[%add3A_22, %dma_wait3A_112] : memref<10008x128xf32, #tpu.memory_space<vmem_shared>> -> memref<78x128xf32, #tpu.memory_space<vmem_shared>>
      %dma_wait3A_114 = arith.constant 0 : i32
      %dma_wait3A_115 = tpu.memref_slice %arg10[%add3A_22, %dma_wait3A_114] : memref<10008x128xf32, #tpu.memory_space<vmem_shared>> -> memref<78x128xf32, #tpu.memory_space<vmem_shared>>
      %dma_wait3A_116 = arith.constant 0 : i32
      %dma_wait3A_117 = arith.constant 0 : i32
      %dma_wait3A_118 = tpu.memref_slice %arg8[%dma_wait3A_116, %dma_wait3A_117] : memref<112x128xf32, #tpu.memory_space<vmem>> -> memref<78x128xf32, #tpu.memory_space<vmem>>
      tpu.wait_dma2 semaphore(%run_scoped3A : memref<!tpu.dma_semaphore, #tpu.memory_space<semaphore_mem>>) src(%dma_wait3A_118 : memref<78x128xf32, #tpu.memory_space<vmem>>) dst(%dma_wait3A_115 : memref<78x128xf32, #tpu.memory_space<vmem_shared>>)
      tpu.yield
    }) : () -> ()
    %mul3A_23 = arith.constant 624 : i32
    %mul3A_24 = arith.muli %arg1, %mul3A_23 : i32
    %add3A_25 = arith.constant 312 : i32
    %add3A_26 = arith.addi %mul3A_24, %add3A_25 : i32
    "tpu.region"() ({
      %run_scoped3A = tpu.sem_alloc : memref<!tpu.dma_semaphore, #tpu.memory_space<semaphore_mem>>
      %dma_start3A_100 = arith.constant 0 : i32
      %dma_start3A_101 = arith.constant 0 : i32
      %dma_start3A_102 = tpu.memref_slice %arg8[%dma_start3A_100, %dma_start3A_101] : memref<112x128xf32, #tpu.memory_space<vmem>> -> memref<78x128xf32, #tpu.memory_space<vmem>>
      %dma_start3A_103 = arith.constant 0 : i32
      %dma_start3A_104 = tpu.memref_slice %arg10[%add3A_26, %dma_start3A_103] : memref<10008x128xf32, #tpu.memory_space<vmem_shared>> -> memref<78x128xf32, #tpu.memory_space<vmem_shared>>
      %dma_start3A_105 = arith.constant 0 : i32
      %dma_start3A_106 = tpu.memref_slice %arg10[%add3A_26, %dma_start3A_105] : memref<10008x128xf32, #tpu.memory_space<vmem_shared>> -> memref<78x128xf32, #tpu.memory_space<vmem_shared>>
      %dma_start3A_107 = arith.constant 0 : i32
      %dma_start3A_108 = arith.constant 0 : i32
      %dma_start3A_109 = tpu.memref_slice %arg8[%dma_start3A_107, %dma_start3A_108] : memref<112x128xf32, #tpu.memory_space<vmem>> -> memref<78x128xf32, #tpu.memory_space<vmem>>
      tpu.enqueue_dma source(%dma_start3A_109 : memref<78x128xf32, #tpu.memory_space<vmem>>) target(%dma_start3A_106 : memref<78x128xf32, #tpu.memory_space<vmem_shared>>) target_semaphore(%run_scoped3A : memref<!tpu.dma_semaphore, #tpu.memory_space<semaphore_mem>>)
      %dma_wait3A = arith.constant 0 : i32
      %dma_wait3A_110 = arith.constant 0 : i32
      %dma_wait3A_111 = tpu.memref_slice %arg8[%dma_wait3A, %dma_wait3A_110] : memref<112x128xf32, #tpu.memory_space<vmem>> -> memref<78x128xf32, #tpu.memory_space<vmem>>
      %dma_wait3A_112 = arith.constant 0 : i32
      %dma_wait3A_113 = tpu.memref_slice %arg10[%add3A_26, %dma_wait3A_112] : memref<10008x128xf32, #tpu.memory_space<vmem_shared>> -> memref<78x128xf32, #tpu.memory_space<vmem_shared>>
      %dma_wait3A_114 = arith.constant 0 : i32
      %dma_wait3A_115 = tpu.memref_slice %arg10[%add3A_26, %dma_wait3A_114] : memref<10008x128xf32, #tpu.memory_space<vmem_shared>> -> memref<78x128xf32, #tpu.memory_space<vmem_shared>>
      %dma_wait3A_116 = arith.constant 0 : i32
      %dma_wait3A_117 = arith.constant 0 : i32
      %dma_wait3A_118 = tpu.memref_slice %arg8[%dma_wait3A_116, %dma_wait3A_117] : memref<112x128xf32, #tpu.memory_space<vmem>> -> memref<78x128xf32, #tpu.memory_space<vmem>>
      tpu.wait_dma2 semaphore(%run_scoped3A : memref<!tpu.dma_semaphore, #tpu.memory_space<semaphore_mem>>) src(%dma_wait3A_118 : memref<78x128xf32, #tpu.memory_space<vmem>>) dst(%dma_wait3A_115 : memref<78x128xf32, #tpu.memory_space<vmem_shared>>)
      tpu.yield
    }) : () -> ()
    %mul3A_27 = arith.constant 624 : i32
    %mul3A_28 = arith.muli %arg1, %mul3A_27 : i32
    %add3A_29 = arith.constant 390 : i32
    %add3A_30 = arith.addi %mul3A_28, %add3A_29 : i32
    "tpu.region"() ({
      %run_scoped3A = tpu.sem_alloc : memref<!tpu.dma_semaphore, #tpu.memory_space<semaphore_mem>>
      %dma_start3A_100 = arith.constant 0 : i32
      %dma_start3A_101 = arith.constant 0 : i32
      %dma_start3A_102 = tpu.memref_slice %arg8[%dma_start3A_100, %dma_start3A_101] : memref<112x128xf32, #tpu.memory_space<vmem>> -> memref<78x128xf32, #tpu.memory_space<vmem>>
      %dma_start3A_103 = arith.constant 0 : i32
      %dma_start3A_104 = tpu.memref_slice %arg10[%add3A_30, %dma_start3A_103] : memref<10008x128xf32, #tpu.memory_space<vmem_shared>> -> memref<78x128xf32, #tpu.memory_space<vmem_shared>>
      %dma_start3A_105 = arith.constant 0 : i32
      %dma_start3A_106 = tpu.memref_slice %arg10[%add3A_30, %dma_start3A_105] : memref<10008x128xf32, #tpu.memory_space<vmem_shared>> -> memref<78x128xf32, #tpu.memory_space<vmem_shared>>
      %dma_start3A_107 = arith.constant 0 : i32
      %dma_start3A_108 = arith.constant 0 : i32
      %dma_start3A_109 = tpu.memref_slice %arg8[%dma_start3A_107, %dma_start3A_108] : memref<112x128xf32, #tpu.memory_space<vmem>> -> memref<78x128xf32, #tpu.memory_space<vmem>>
      tpu.enqueue_dma source(%dma_start3A_109 : memref<78x128xf32, #tpu.memory_space<vmem>>) target(%dma_start3A_106 : memref<78x128xf32, #tpu.memory_space<vmem_shared>>) target_semaphore(%run_scoped3A : memref<!tpu.dma_semaphore, #tpu.memory_space<semaphore_mem>>)
      %dma_wait3A = arith.constant 0 : i32
      %dma_wait3A_110 = arith.constant 0 : i32
      %dma_wait3A_111 = tpu.memref_slice %arg8[%dma_wait3A, %dma_wait3A_110] : memref<112x128xf32, #tpu.memory_space<vmem>> -> memref<78x128xf32, #tpu.memory_space<vmem>>
      %dma_wait3A_112 = arith.constant 0 : i32
      %dma_wait3A_113 = tpu.memref_slice %arg10[%add3A_30, %dma_wait3A_112] : memref<10008x128xf32, #tpu.memory_space<vmem_shared>> -> memref<78x128xf32, #tpu.memory_space<vmem_shared>>
      %dma_wait3A_114 = arith.constant 0 : i32
      %dma_wait3A_115 = tpu.memref_slice %arg10[%add3A_30, %dma_wait3A_114] : memref<10008x128xf32, #tpu.memory_space<vmem_shared>> -> memref<78x128xf32, #tpu.memory_space<vmem_shared>>
      %dma_wait3A_116 = arith.constant 0 : i32
      %dma_wait3A_117 = arith.constant 0 : i32
      %dma_wait3A_118 = tpu.memref_slice %arg8[%dma_wait3A_116, %dma_wait3A_117] : memref<112x128xf32, #tpu.memory_space<vmem>> -> memref<78x128xf32, #tpu.memory_space<vmem>>
      tpu.wait_dma2 semaphore(%run_scoped3A : memref<!tpu.dma_semaphore, #tpu.memory_space<semaphore_mem>>) src(%dma_wait3A_118 : memref<78x128xf32, #tpu.memory_space<vmem>>) dst(%dma_wait3A_115 : memref<78x128xf32, #tpu.memory_space<vmem_shared>>)
      tpu.yield
    }) : () -> ()
    %mul3A_31 = arith.constant 624 : i32
    %mul3A_32 = arith.muli %arg1, %mul3A_31 : i32
    %add3A_33 = arith.constant 468 : i32
    %add3A_34 = arith.addi %mul3A_32, %add3A_33 : i32
    "tpu.region"() ({
      %run_scoped3A = tpu.sem_alloc : memref<!tpu.dma_semaphore, #tpu.memory_space<semaphore_mem>>
      %dma_start3A_100 = arith.constant 0 : i32
      %dma_start3A_101 = arith.constant 0 : i32
      %dma_start3A_102 = tpu.memref_slice %arg8[%dma_start3A_100, %dma_start3A_101] : memref<112x128xf32, #tpu.memory_space<vmem>> -> memref<78x128xf32, #tpu.memory_space<vmem>>
      %dma_start3A_103 = arith.constant 0 : i32
      %dma_start3A_104 = tpu.memref_slice %arg10[%add3A_34, %dma_start3A_103] : memref<10008x128xf32, #tpu.memory_space<vmem_shared>> -> memref<78x128xf32, #tpu.memory_space<vmem_shared>>
      %dma_start3A_105 = arith.constant 0 : i32
      %dma_start3A_106 = tpu.memref_slice %arg10[%add3A_34, %dma_start3A_105] : memref<10008x128xf32, #tpu.memory_space<vmem_shared>> -> memref<78x128xf32, #tpu.memory_space<vmem_shared>>
      %dma_start3A_107 = arith.constant 0 : i32
      %dma_start3A_108 = arith.constant 0 : i32
      %dma_start3A_109 = tpu.memref_slice %arg8[%dma_start3A_107, %dma_start3A_108] : memref<112x128xf32, #tpu.memory_space<vmem>> -> memref<78x128xf32, #tpu.memory_space<vmem>>
      tpu.enqueue_dma source(%dma_start3A_109 : memref<78x128xf32, #tpu.memory_space<vmem>>) target(%dma_start3A_106 : memref<78x128xf32, #tpu.memory_space<vmem_shared>>) target_semaphore(%run_scoped3A : memref<!tpu.dma_semaphore, #tpu.memory_space<semaphore_mem>>)
      %dma_wait3A = arith.constant 0 : i32
      %dma_wait3A_110 = arith.constant 0 : i32
      %dma_wait3A_111 = tpu.memref_slice %arg8[%dma_wait3A, %dma_wait3A_110] : memref<112x128xf32, #tpu.memory_space<vmem>> -> memref<78x128xf32, #tpu.memory_space<vmem>>
      %dma_wait3A_112 = arith.constant 0 : i32
      %dma_wait3A_113 = tpu.memref_slice %arg10[%add3A_34, %dma_wait3A_112] : memref<10008x128xf32, #tpu.memory_space<vmem_shared>> -> memref<78x128xf32, #tpu.memory_space<vmem_shared>>
      %dma_wait3A_114 = arith.constant 0 : i32
      %dma_wait3A_115 = tpu.memref_slice %arg10[%add3A_34, %dma_wait3A_114] : memref<10008x128xf32, #tpu.memory_space<vmem_shared>> -> memref<78x128xf32, #tpu.memory_space<vmem_shared>>
      %dma_wait3A_116 = arith.constant 0 : i32
      %dma_wait3A_117 = arith.constant 0 : i32
      %dma_wait3A_118 = tpu.memref_slice %arg8[%dma_wait3A_116, %dma_wait3A_117] : memref<112x128xf32, #tpu.memory_space<vmem>> -> memref<78x128xf32, #tpu.memory_space<vmem>>
      tpu.wait_dma2 semaphore(%run_scoped3A : memref<!tpu.dma_semaphore, #tpu.memory_space<semaphore_mem>>) src(%dma_wait3A_118 : memref<78x128xf32, #tpu.memory_space<vmem>>) dst(%dma_wait3A_115 : memref<78x128xf32, #tpu.memory_space<vmem_shared>>)
      tpu.yield
    }) : () -> ()
    %mul3A_35 = arith.constant 624 : i32
    %mul3A_36 = arith.muli %arg1, %mul3A_35 : i32
    %add3A_37 = arith.constant 546 : i32
    %add3A_38 = arith.addi %mul3A_36, %add3A_37 : i32
    "tpu.region"() ({
      %run_scoped3A = tpu.sem_alloc : memref<!tpu.dma_semaphore, #tpu.memory_space<semaphore_mem>>
      %dma_start3A_100 = arith.constant 0 : i32
      %dma_start3A_101 = arith.constant 0 : i32
      %dma_start3A_102 = tpu.memref_slice %arg8[%dma_start3A_100, %dma_start3A_101] : memref<112x128xf32, #tpu.memory_space<vmem>> -> memref<78x128xf32, #tpu.memory_space<vmem>>
      %dma_start3A_103 = arith.constant 0 : i32
      %dma_start3A_104 = tpu.memref_slice %arg10[%add3A_38, %dma_start3A_103] : memref<10008x128xf32, #tpu.memory_space<vmem_shared>> -> memref<78x128xf32, #tpu.memory_space<vmem_shared>>
      %dma_start3A_105 = arith.constant 0 : i32
      %dma_start3A_106 = tpu.memref_slice %arg10[%add3A_38, %dma_start3A_105] : memref<10008x128xf32, #tpu.memory_space<vmem_shared>> -> memref<78x128xf32, #tpu.memory_space<vmem_shared>>
      %dma_start3A_107 = arith.constant 0 : i32
      %dma_start3A_108 = arith.constant 0 : i32
      %dma_start3A_109 = tpu.memref_slice %arg8[%dma_start3A_107, %dma_start3A_108] : memref<112x128xf32, #tpu.memory_space<vmem>> -> memref<78x128xf32, #tpu.memory_space<vmem>>
      tpu.enqueue_dma source(%dma_start3A_109 : memref<78x128xf32, #tpu.memory_space<vmem>>) target(%dma_start3A_106 : memref<78x128xf32, #tpu.memory_space<vmem_shared>>) target_semaphore(%run_scoped3A : memref<!tpu.dma_semaphore, #tpu.memory_space<semaphore_mem>>)
      %dma_wait3A = arith.constant 0 : i32
      %dma_wait3A_110 = arith.constant 0 : i32
      %dma_wait3A_111 = tpu.memref_slice %arg8[%dma_wait3A, %dma_wait3A_110] : memref<112x128xf32, #tpu.memory_space<vmem>> -> memref<78x128xf32, #tpu.memory_space<vmem>>
      %dma_wait3A_112 = arith.constant 0 : i32
      %dma_wait3A_113 = tpu.memref_slice %arg10[%add3A_38, %dma_wait3A_112] : memref<10008x128xf32, #tpu.memory_space<vmem_shared>> -> memref<78x128xf32, #tpu.memory_space<vmem_shared>>
      %dma_wait3A_114 = arith.constant 0 : i32
      %dma_wait3A_115 = tpu.memref_slice %arg10[%add3A_38, %dma_wait3A_114] : memref<10008x128xf32, #tpu.memory_space<vmem_shared>> -> memref<78x128xf32, #tpu.memory_space<vmem_shared>>
      %dma_wait3A_116 = arith.constant 0 : i32
      %dma_wait3A_117 = arith.constant 0 : i32
      %dma_wait3A_118 = tpu.memref_slice %arg8[%dma_wait3A_116, %dma_wait3A_117] : memref<112x128xf32, #tpu.memory_space<vmem>> -> memref<78x128xf32, #tpu.memory_space<vmem>>
      tpu.wait_dma2 semaphore(%run_scoped3A : memref<!tpu.dma_semaphore, #tpu.memory_space<semaphore_mem>>) src(%dma_wait3A_118 : memref<78x128xf32, #tpu.memory_space<vmem>>) dst(%dma_wait3A_115 : memref<78x128xf32, #tpu.memory_space<vmem_shared>>)
      tpu.yield
    }) : () -> ()
    %eq3A = arith.constant 15 : i32
    %eq3A_39 = arith.cmpi eq, %arg1, %eq3A : i32
    %convert_element_type3A = arith.extui %eq3A_39 : i1 to i32
    %cond3A = arith.constant 0 : i32
    %cond3A_40 = arith.cmpi ne, %convert_element_type3A, %cond3A : i32
    scf.if %cond3A_40 {
      "tpu.region"() ({
        %run_scoped3A = tpu.sem_alloc : memref<!tpu.dma_semaphore, #tpu.memory_space<semaphore_mem>>
        %dma_start3A_100 = arith.constant 0 : i32
        %dma_start3A_101 = arith.constant 0 : i32
        %dma_start3A_102 = tpu.memref_slice %arg8[%dma_start3A_100, %dma_start3A_101] : memref<112x128xf32, #tpu.memory_space<vmem>> -> memref<16x128xf32, #tpu.memory_space<vmem>>
        %dma_start3A_103 = arith.constant 9984 : i32
        %dma_start3A_104 = arith.constant 0 : i32
        %dma_start3A_105 = tpu.memref_slice %arg10[%dma_start3A_103, %dma_start3A_104] : memref<10008x128xf32, #tpu.memory_space<vmem_shared>> -> memref<16x128xf32, #tpu.memory_space<vmem_shared>>
        %dma_start3A_106 = arith.constant 9984 : i32
        %dma_start3A_107 = arith.constant 0 : i32
        %dma_start3A_108 = tpu.memref_slice %arg10[%dma_start3A_106, %dma_start3A_107] : memref<10008x128xf32, #tpu.memory_space<vmem_shared>> -> memref<16x128xf32, #tpu.memory_space<vmem_shared>>
        %dma_start3A_109 = arith.constant 0 : i32
        %dma_start3A_110 = arith.constant 0 : i32
        %dma_start3A_111 = tpu.memref_slice %arg8[%dma_start3A_109, %dma_start3A_110] : memref<112x128xf32, #tpu.memory_space<vmem>> -> memref<16x128xf32, #tpu.memory_space<vmem>>
        tpu.enqueue_dma source(%dma_start3A_111 : memref<16x128xf32, #tpu.memory_space<vmem>>) target(%dma_start3A_108 : memref<16x128xf32, #tpu.memory_space<vmem_shared>>) target_semaphore(%run_scoped3A : memref<!tpu.dma_semaphore, #tpu.memory_space<semaphore_mem>>)
        %dma_wait3A = arith.constant 0 : i32
        %dma_wait3A_112 = arith.constant 0 : i32
        %dma_wait3A_113 = tpu.memref_slice %arg8[%dma_wait3A, %dma_wait3A_112] : memref<112x128xf32, #tpu.memory_space<vmem>> -> memref<16x128xf32, #tpu.memory_space<vmem>>
        %dma_wait3A_114 = arith.constant 9984 : i32
        %dma_wait3A_115 = arith.constant 0 : i32
        %dma_wait3A_116 = tpu.memref_slice %arg10[%dma_wait3A_114, %dma_wait3A_115] : memref<10008x128xf32, #tpu.memory_space<vmem_shared>> -> memref<16x128xf32, #tpu.memory_space<vmem_shared>>
        %dma_wait3A_117 = arith.constant 9984 : i32
        %dma_wait3A_118 = arith.constant 0 : i32
        %dma_wait3A_119 = tpu.memref_slice %arg10[%dma_wait3A_117, %dma_wait3A_118] : memref<10008x128xf32, #tpu.memory_space<vmem_shared>> -> memref<16x128xf32, #tpu.memory_space<vmem_shared>>
        %dma_wait3A_120 = arith.constant 0 : i32
        %dma_wait3A_121 = arith.constant 0 : i32
        %dma_wait3A_122 = tpu.memref_slice %arg8[%dma_wait3A_120, %dma_wait3A_121] : memref<112x128xf32, #tpu.memory_space<vmem>> -> memref<16x128xf32, #tpu.memory_space<vmem>>
        tpu.wait_dma2 semaphore(%run_scoped3A : memref<!tpu.dma_semaphore, #tpu.memory_space<semaphore_mem>>) src(%dma_wait3A_122 : memref<16x128xf32, #tpu.memory_space<vmem>>) dst(%dma_wait3A_119 : memref<16x128xf32, #tpu.memory_space<vmem_shared>>)
        tpu.yield
      }) : () -> ()
    } else {
    }
    %barrier3A = arith.constant 0 : index
    tpu.barrier barrier_id(%barrier3A)
    %mul3A_41 = arith.constant 92 : i32
    %mul3A_42 = arith.muli %add3A, %mul3A_41 : i32
    %mul3A_43 = arith.constant 128 : i32
    %mul3A_44 = arith.muli %mul3A_42, %mul3A_43 : i32
    %add3A_45 = arith.constant 0 : i32
    %add3A_46 = arith.addi %mul3A_44, %add3A_45 : i32
    "tpu.region"() ({
      %run_scoped3A = tpu.sem_alloc : memref<!tpu.dma_semaphore, #tpu.memory_space<semaphore_mem>>
      %dma_start3A_100 = tpu.memref_slice %arg3[%add3A_46] : memref<376832xi32, #tpu.memory_space<hbm>> -> memref<5888xi32, #tpu.memory_space<hbm>>
      %dma_start3A_101 = tpu.memref_slice %arg3[%add3A_46] : memref<376832xi32, #tpu.memory_space<hbm>> -> memref<5888xi32, #tpu.memory_space<hbm>>
      tpu.enqueue_dma source(%dma_start3A_101 : memref<5888xi32, #tpu.memory_space<hbm>>) target(%arg6 : memref<5888xi32, #tpu.memory_space<vmem>>) target_semaphore(%run_scoped3A : memref<!tpu.dma_semaphore, #tpu.memory_space<semaphore_mem>>)
      %dma_wait3A = tpu.memref_slice %arg3[%add3A_46] : memref<376832xi32, #tpu.memory_space<hbm>> -> memref<5888xi32, #tpu.memory_space<hbm>>
      %dma_wait3A_102 = tpu.memref_slice %arg3[%add3A_46] : memref<376832xi32, #tpu.memory_space<hbm>> -> memref<5888xi32, #tpu.memory_space<hbm>>
      tpu.wait_dma2 semaphore(%run_scoped3A : memref<!tpu.dma_semaphore, #tpu.memory_space<semaphore_mem>>) src(%dma_wait3A_102 : memref<5888xi32, #tpu.memory_space<hbm>>) dst(%arg6 : memref<5888xi32, #tpu.memory_space<vmem>>)
      tpu.yield
    }) : () -> ()
    "tpu.region"() ({
      %run_scoped3A = tpu.sem_alloc : memref<!tpu.dma_semaphore, #tpu.memory_space<semaphore_mem>>
      %dma_start3A_100 = tpu.memref_slice %arg4[%add3A_46] : memref<376832xi32, #tpu.memory_space<hbm>> -> memref<5888xi32, #tpu.memory_space<hbm>>
      %dma_start3A_101 = tpu.memref_slice %arg4[%add3A_46] : memref<376832xi32, #tpu.memory_space<hbm>> -> memref<5888xi32, #tpu.memory_space<hbm>>
      tpu.enqueue_dma source(%dma_start3A_101 : memref<5888xi32, #tpu.memory_space<hbm>>) target(%arg7 : memref<5888xi32, #tpu.memory_space<vmem>>) target_semaphore(%run_scoped3A : memref<!tpu.dma_semaphore, #tpu.memory_space<semaphore_mem>>)
      %dma_wait3A = tpu.memref_slice %arg4[%add3A_46] : memref<376832xi32, #tpu.memory_space<hbm>> -> memref<5888xi32, #tpu.memory_space<hbm>>
      %dma_wait3A_102 = tpu.memref_slice %arg4[%add3A_46] : memref<376832xi32, #tpu.memory_space<hbm>> -> memref<5888xi32, #tpu.memory_space<hbm>>
      tpu.wait_dma2 semaphore(%run_scoped3A : memref<!tpu.dma_semaphore, #tpu.memory_space<semaphore_mem>>) src(%dma_wait3A_102 : memref<5888xi32, #tpu.memory_space<hbm>>) dst(%arg7 : memref<5888xi32, #tpu.memory_space<vmem>>)
      tpu.yield
    }) : () -> ()
    %dma_start3A = arith.constant 0 : i32
    %dma_start3A_47 = tpu.memref_slice %arg6[%dma_start3A] : memref<5888xi32, #tpu.memory_space<vmem>> -> memref<112xi32, #tpu.memory_space<vmem>>
    %dma_start3A_48 = arith.constant 0 : i32
    %dma_start3A_49 = arith.constant 0 : i32
    %dma_start3A_50 = tpu.memref_slice %arg2[%dma_start3A_48, %dma_start3A_49] : memref<10000x128xf32, #tpu.memory_space<hbm>> -> memref<10000x128xf32, #tpu.memory_space<hbm>>
    tpu.enqueue_indirect_dma source(%dma_start3A_50 : memref<10000x128xf32, #tpu.memory_space<hbm>>) target(%arg8 : memref<112x128xf32, #tpu.memory_space<vmem>>) offsets(%dma_start3A_47 : memref<112xi32, #tpu.memory_space<vmem>>) semaphore(%arg11 : memref<!tpu.dma_semaphore, #tpu.memory_space<semaphore_mem>>)
    %scan3A_51 = arith.constant 0 : i32
    %scan3A_52 = arith.constant 0 : i32
    %scan3A_53 = arith.constant 23 : i32
    %scan3A_54 = arith.addi %scan3A_52, %scan3A_53 : i32
    %scan3A_55 = arith.constant 1 : i32
    scf.for %scan3A_100 = %scan3A_52 to %scan3A_54 step %scan3A_55  : i32 {
      %mul3A_101 = arith.constant 2 : i32
      %mul3A_102 = arith.muli %mul3A_101, %scan3A_100 : i32
      %mul3A_103 = arith.constant 128 : i32
      %mul3A_104 = arith.muli %mul3A_102, %mul3A_103 : i32
      %dma_wait3A = tpu.memref_slice %arg6[%mul3A_104] : memref<5888xi32, #tpu.memory_space<vmem>> -> memref<112xi32, #tpu.memory_space<vmem>>
      %dma_wait3A_105 = arith.constant 0 : i32
      %dma_wait3A_106 = arith.constant 0 : i32
      %dma_wait3A_107 = tpu.memref_slice %arg2[%dma_wait3A_105, %dma_wait3A_106] : memref<10000x128xf32, #tpu.memory_space<hbm>> -> memref<10000x128xf32, #tpu.memory_space<hbm>>
      tpu.wait_indirect_dma semaphore(%arg11 : memref<!tpu.dma_semaphore, #tpu.memory_space<semaphore_mem>>) src(%dma_wait3A_107 : memref<10000x128xf32, #tpu.memory_space<hbm>>) dst(%arg8 : memref<112x128xf32, #tpu.memory_space<vmem>>)
      %add3A_108 = arith.constant 1 : i32
      %add3A_109 = arith.addi %mul3A_102, %add3A_108 : i32
      %mul3A_110 = arith.constant 128 : i32
      %mul3A_111 = arith.muli %add3A_109, %mul3A_110 : i32
      %dma_start3A_112 = tpu.memref_slice %arg6[%mul3A_111] : memref<5888xi32, #tpu.memory_space<vmem>> -> memref<112xi32, #tpu.memory_space<vmem>>
      %dma_start3A_113 = arith.constant 0 : i32
      %dma_start3A_114 = arith.constant 0 : i32
      %dma_start3A_115 = tpu.memref_slice %arg2[%dma_start3A_113, %dma_start3A_114] : memref<10000x128xf32, #tpu.memory_space<hbm>> -> memref<10000x128xf32, #tpu.memory_space<hbm>>
      tpu.enqueue_indirect_dma source(%dma_start3A_115 : memref<10000x128xf32, #tpu.memory_space<hbm>>) target(%arg9 : memref<112x128xf32, #tpu.memory_space<vmem>>) offsets(%dma_start3A_112 : memref<112xi32, #tpu.memory_space<vmem>>) semaphore(%arg12 : memref<!tpu.dma_semaphore, #tpu.memory_space<semaphore_mem>>)
      %mul3A_116 = arith.constant 128 : i32
      %mul3A_117 = arith.muli %mul3A_102, %mul3A_116 : i32
      "tpu.region"() ({
        %run_scoped3A = tpu.sem_alloc : memref<!tpu.dma_semaphore, #tpu.memory_space<semaphore_mem>>
        %dma_start3A_136 = tpu.memref_slice %arg7[%mul3A_117] : memref<5888xi32, #tpu.memory_space<vmem>> -> memref<112xi32, #tpu.memory_space<vmem>>
        %dma_start3A_137 = arith.constant 0 : i32
        %dma_start3A_138 = arith.constant 0 : i32
        %dma_start3A_139 = tpu.memref_slice %arg10[%dma_start3A_137, %dma_start3A_138] : memref<10008x128xf32, #tpu.memory_space<vmem_shared>> -> memref<10008x128xf32, #tpu.memory_space<vmem_shared>>
        tpu.enqueue_indirect_dma source(%arg8 : memref<112x128xf32, #tpu.memory_space<vmem>>) target(%dma_start3A_139 : memref<10008x128xf32, #tpu.memory_space<vmem_shared>>) offsets(%dma_start3A_136 : memref<112xi32, #tpu.memory_space<vmem>>) semaphore(%run_scoped3A : memref<!tpu.dma_semaphore, #tpu.memory_space<semaphore_mem>>) {add = true}
        %dma_wait3A_140 = tpu.memref_slice %arg7[%mul3A_117] : memref<5888xi32, #tpu.memory_space<vmem>> -> memref<112xi32, #tpu.memory_space<vmem>>
        %dma_wait3A_141 = arith.constant 0 : i32
        %dma_wait3A_142 = arith.constant 0 : i32
        %dma_wait3A_143 = tpu.memref_slice %arg10[%dma_wait3A_141, %dma_wait3A_142] : memref<10008x128xf32, #tpu.memory_space<vmem_shared>> -> memref<10008x128xf32, #tpu.memory_space<vmem_shared>>
        tpu.wait_indirect_dma semaphore(%run_scoped3A : memref<!tpu.dma_semaphore, #tpu.memory_space<semaphore_mem>>) src(%arg8 : memref<112x128xf32, #tpu.memory_space<vmem>>) dst(%dma_wait3A_143 : memref<10008x128xf32, #tpu.memory_space<vmem_shared>>)
        tpu.yield
      }) : () -> ()
      %add3A_118 = arith.constant 2 : i32
      %add3A_119 = arith.addi %mul3A_102, %add3A_118 : i32
      %lt3A = arith.constant 46 : i32
      %lt3A_120 = arith.cmpi slt, %add3A_119, %lt3A : i32
      %convert_element_type3A_121 = arith.extui %lt3A_120 : i1 to i32
      %cond3A_122 = arith.constant 0 : i32
      %cond3A_123 = arith.cmpi ne, %convert_element_type3A_121, %cond3A_122 : i32
      scf.if %cond3A_123 {
        %add3A_136 = arith.constant 2 : i32
        %add3A_137 = arith.addi %mul3A_102, %add3A_136 : i32
        %mul3A_138 = arith.constant 128 : i32
        %mul3A_139 = arith.muli %add3A_137, %mul3A_138 : i32
        %dma_start3A_140 = tpu.memref_slice %arg6[%mul3A_139] : memref<5888xi32, #tpu.memory_space<vmem>> -> memref<112xi32, #tpu.memory_space<vmem>>
        %dma_start3A_141 = arith.constant 0 : i32
        %dma_start3A_142 = arith.constant 0 : i32
        %dma_start3A_143 = tpu.memref_slice %arg2[%dma_start3A_141, %dma_start3A_142] : memref<10000x128xf32, #tpu.memory_space<hbm>> -> memref<10000x128xf32, #tpu.memory_space<hbm>>
        tpu.enqueue_indirect_dma source(%dma_start3A_143 : memref<10000x128xf32, #tpu.memory_space<hbm>>) target(%arg8 : memref<112x128xf32, #tpu.memory_space<vmem>>) offsets(%dma_start3A_140 : memref<112xi32, #tpu.memory_space<vmem>>) semaphore(%arg11 : memref<!tpu.dma_semaphore, #tpu.memory_space<semaphore_mem>>)
      } else {
      }
      %add3A_124 = arith.constant 1 : i32
      %add3A_125 = arith.addi %mul3A_102, %add3A_124 : i32
      %mul3A_126 = arith.constant 128 : i32
      %mul3A_127 = arith.muli %add3A_125, %mul3A_126 : i32
      %dma_wait3A_128 = tpu.memref_slice %arg6[%mul3A_127] : memref<5888xi32, #tpu.memory_space<vmem>> -> memref<112xi32, #tpu.memory_space<vmem>>
      %dma_wait3A_129 = arith.constant 0 : i32
      %dma_wait3A_130 = arith.constant 0 : i32
      %dma_wait3A_131 = tpu.memref_slice %arg2[%dma_wait3A_129, %dma_wait3A_130] : memref<10000x128xf32, #tpu.memory_space<hbm>> -> memref<10000x128xf32, #tpu.memory_space<hbm>>
      tpu.wait_indirect_dma semaphore(%arg12 : memref<!tpu.dma_semaphore, #tpu.memory_space<semaphore_mem>>) src(%dma_wait3A_131 : memref<10000x128xf32, #tpu.memory_space<hbm>>) dst(%arg9 : memref<112x128xf32, #tpu.memory_space<vmem>>)
      %add3A_132 = arith.constant 1 : i32
      %add3A_133 = arith.addi %mul3A_102, %add3A_132 : i32
      %mul3A_134 = arith.constant 128 : i32
      %mul3A_135 = arith.muli %add3A_133, %mul3A_134 : i32
      "tpu.region"() ({
        %run_scoped3A = tpu.sem_alloc : memref<!tpu.dma_semaphore, #tpu.memory_space<semaphore_mem>>
        %dma_start3A_136 = tpu.memref_slice %arg7[%mul3A_135] : memref<5888xi32, #tpu.memory_space<vmem>> -> memref<112xi32, #tpu.memory_space<vmem>>
        %dma_start3A_137 = arith.constant 0 : i32
        %dma_start3A_138 = arith.constant 0 : i32
        %dma_start3A_139 = tpu.memref_slice %arg10[%dma_start3A_137, %dma_start3A_138] : memref<10008x128xf32, #tpu.memory_space<vmem_shared>> -> memref<10008x128xf32, #tpu.memory_space<vmem_shared>>
        tpu.enqueue_indirect_dma source(%arg9 : memref<112x128xf32, #tpu.memory_space<vmem>>) target(%dma_start3A_139 : memref<10008x128xf32, #tpu.memory_space<vmem_shared>>) offsets(%dma_start3A_136 : memref<112xi32, #tpu.memory_space<vmem>>) semaphore(%run_scoped3A : memref<!tpu.dma_semaphore, #tpu.memory_space<semaphore_mem>>) {add = true}
        %dma_wait3A_140 = tpu.memref_slice %arg7[%mul3A_135] : memref<5888xi32, #tpu.memory_space<vmem>> -> memref<112xi32, #tpu.memory_space<vmem>>
        %dma_wait3A_141 = arith.constant 0 : i32
        %dma_wait3A_142 = arith.constant 0 : i32
        %dma_wait3A_143 = tpu.memref_slice %arg10[%dma_wait3A_141, %dma_wait3A_142] : memref<10008x128xf32, #tpu.memory_space<vmem_shared>> -> memref<10008x128xf32, #tpu.memory_space<vmem_shared>>
        tpu.wait_indirect_dma semaphore(%run_scoped3A : memref<!tpu.dma_semaphore, #tpu.memory_space<semaphore_mem>>) src(%arg9 : memref<112x128xf32, #tpu.memory_space<vmem>>) dst(%dma_wait3A_143 : memref<10008x128xf32, #tpu.memory_space<vmem_shared>>)
        tpu.yield
      }) : () -> ()
    }
    %scan3A_56 = arith.constant 23 : i32
    %add3A_57 = arith.constant 5888 : i32
    %add3A_58 = arith.addi %mul3A_44, %add3A_57 : i32
    "tpu.region"() ({
      %run_scoped3A = tpu.sem_alloc : memref<!tpu.dma_semaphore, #tpu.memory_space<semaphore_mem>>
      %dma_start3A_100 = tpu.memref_slice %arg3[%add3A_58] : memref<376832xi32, #tpu.memory_space<hbm>> -> memref<5888xi32, #tpu.memory_space<hbm>>
      %dma_start3A_101 = tpu.memref_slice %arg3[%add3A_58] : memref<376832xi32, #tpu.memory_space<hbm>> -> memref<5888xi32, #tpu.memory_space<hbm>>
      tpu.enqueue_dma source(%dma_start3A_101 : memref<5888xi32, #tpu.memory_space<hbm>>) target(%arg6 : memref<5888xi32, #tpu.memory_space<vmem>>) target_semaphore(%run_scoped3A : memref<!tpu.dma_semaphore, #tpu.memory_space<semaphore_mem>>)
      %dma_wait3A = tpu.memref_slice %arg3[%add3A_58] : memref<376832xi32, #tpu.memory_space<hbm>> -> memref<5888xi32, #tpu.memory_space<hbm>>
      %dma_wait3A_102 = tpu.memref_slice %arg3[%add3A_58] : memref<376832xi32, #tpu.memory_space<hbm>> -> memref<5888xi32, #tpu.memory_space<hbm>>
      tpu.wait_dma2 semaphore(%run_scoped3A : memref<!tpu.dma_semaphore, #tpu.memory_space<semaphore_mem>>) src(%dma_wait3A_102 : memref<5888xi32, #tpu.memory_space<hbm>>) dst(%arg6 : memref<5888xi32, #tpu.memory_space<vmem>>)
      tpu.yield
    }) : () -> ()
    "tpu.region"() ({
      %run_scoped3A = tpu.sem_alloc : memref<!tpu.dma_semaphore, #tpu.memory_space<semaphore_mem>>
      %dma_start3A_100 = tpu.memref_slice %arg4[%add3A_58] : memref<376832xi32, #tpu.memory_space<hbm>> -> memref<5888xi32, #tpu.memory_space<hbm>>
      %dma_start3A_101 = tpu.memref_slice %arg4[%add3A_58] : memref<376832xi32, #tpu.memory_space<hbm>> -> memref<5888xi32, #tpu.memory_space<hbm>>
      tpu.enqueue_dma source(%dma_start3A_101 : memref<5888xi32, #tpu.memory_space<hbm>>) target(%arg7 : memref<5888xi32, #tpu.memory_space<vmem>>) target_semaphore(%run_scoped3A : memref<!tpu.dma_semaphore, #tpu.memory_space<semaphore_mem>>)
      %dma_wait3A = tpu.memref_slice %arg4[%add3A_58] : memref<376832xi32, #tpu.memory_space<hbm>> -> memref<5888xi32, #tpu.memory_space<hbm>>
      %dma_wait3A_102 = tpu.memref_slice %arg4[%add3A_58] : memref<376832xi32, #tpu.memory_space<hbm>> -> memref<5888xi32, #tpu.memory_space<hbm>>
      tpu.wait_dma2 semaphore(%run_scoped3A : memref<!tpu.dma_semaphore, #tpu.memory_space<semaphore_mem>>) src(%dma_wait3A_102 : memref<5888xi32, #tpu.memory_space<hbm>>) dst(%arg7 : memref<5888xi32, #tpu.memory_space<vmem>>)
      tpu.yield
    }) : () -> ()
    %dma_start3A_59 = arith.constant 0 : i32
    %dma_start3A_60 = tpu.memref_slice %arg6[%dma_start3A_59] : memref<5888xi32, #tpu.memory_space<vmem>> -> memref<112xi32, #tpu.memory_space<vmem>>
    %dma_start3A_61 = arith.constant 0 : i32
    %dma_start3A_62 = arith.constant 0 : i32
    %dma_start3A_63 = tpu.memref_slice %arg2[%dma_start3A_61, %dma_start3A_62] : memref<10000x128xf32, #tpu.memory_space<hbm>> -> memref<10000x128xf32, #tpu.memory_space<hbm>>
    tpu.enqueue_indirect_dma source(%dma_start3A_63 : memref<10000x128xf32, #tpu.memory_space<hbm>>) target(%arg8 : memref<112x128xf32, #tpu.memory_space<vmem>>) offsets(%dma_start3A_60 : memref<112xi32, #tpu.memory_space<vmem>>) semaphore(%arg11 : memref<!tpu.dma_semaphore, #tpu.memory_space<semaphore_mem>>)
    %scan3A_64 = arith.constant 0 : i32
    %scan3A_65 = arith.constant 0 : i32
    %scan3A_66 = arith.constant 23 : i32
    %scan3A_67 = arith.addi %scan3A_65, %scan3A_66 : i32
    %scan3A_68 = arith.constant 1 : i32
    scf.for %scan3A_100 = %scan3A_65 to %scan3A_67 step %scan3A_68  : i32 {
      %mul3A_101 = arith.constant 2 : i32
      %mul3A_102 = arith.muli %mul3A_101, %scan3A_100 : i32
      %mul3A_103 = arith.constant 128 : i32
      %mul3A_104 = arith.muli %mul3A_102, %mul3A_103 : i32
      %dma_wait3A = tpu.memref_slice %arg6[%mul3A_104] : memref<5888xi32, #tpu.memory_space<vmem>> -> memref<112xi32, #tpu.memory_space<vmem>>
      %dma_wait3A_105 = arith.constant 0 : i32
      %dma_wait3A_106 = arith.constant 0 : i32
      %dma_wait3A_107 = tpu.memref_slice %arg2[%dma_wait3A_105, %dma_wait3A_106] : memref<10000x128xf32, #tpu.memory_space<hbm>> -> memref<10000x128xf32, #tpu.memory_space<hbm>>
      tpu.wait_indirect_dma semaphore(%arg11 : memref<!tpu.dma_semaphore, #tpu.memory_space<semaphore_mem>>) src(%dma_wait3A_107 : memref<10000x128xf32, #tpu.memory_space<hbm>>) dst(%arg8 : memref<112x128xf32, #tpu.memory_space<vmem>>)
      %add3A_108 = arith.constant 1 : i32
      %add3A_109 = arith.addi %mul3A_102, %add3A_108 : i32
      %mul3A_110 = arith.constant 128 : i32
      %mul3A_111 = arith.muli %add3A_109, %mul3A_110 : i32
      %dma_start3A_112 = tpu.memref_slice %arg6[%mul3A_111] : memref<5888xi32, #tpu.memory_space<vmem>> -> memref<112xi32, #tpu.memory_space<vmem>>
      %dma_start3A_113 = arith.constant 0 : i32
      %dma_start3A_114 = arith.constant 0 : i32
      %dma_start3A_115 = tpu.memref_slice %arg2[%dma_start3A_113, %dma_start3A_114] : memref<10000x128xf32, #tpu.memory_space<hbm>> -> memref<10000x128xf32, #tpu.memory_space<hbm>>
      tpu.enqueue_indirect_dma source(%dma_start3A_115 : memref<10000x128xf32, #tpu.memory_space<hbm>>) target(%arg9 : memref<112x128xf32, #tpu.memory_space<vmem>>) offsets(%dma_start3A_112 : memref<112xi32, #tpu.memory_space<vmem>>) semaphore(%arg12 : memref<!tpu.dma_semaphore, #tpu.memory_space<semaphore_mem>>)
      %mul3A_116 = arith.constant 128 : i32
      %mul3A_117 = arith.muli %mul3A_102, %mul3A_116 : i32
      "tpu.region"() ({
        %run_scoped3A = tpu.sem_alloc : memref<!tpu.dma_semaphore, #tpu.memory_space<semaphore_mem>>
        %dma_start3A_136 = tpu.memref_slice %arg7[%mul3A_117] : memref<5888xi32, #tpu.memory_space<vmem>> -> memref<112xi32, #tpu.memory_space<vmem>>
        %dma_start3A_137 = arith.constant 0 : i32
        %dma_start3A_138 = arith.constant 0 : i32
        %dma_start3A_139 = tpu.memref_slice %arg10[%dma_start3A_137, %dma_start3A_138] : memref<10008x128xf32, #tpu.memory_space<vmem_shared>> -> memref<10008x128xf32, #tpu.memory_space<vmem_shared>>
        tpu.enqueue_indirect_dma source(%arg8 : memref<112x128xf32, #tpu.memory_space<vmem>>) target(%dma_start3A_139 : memref<10008x128xf32, #tpu.memory_space<vmem_shared>>) offsets(%dma_start3A_136 : memref<112xi32, #tpu.memory_space<vmem>>) semaphore(%run_scoped3A : memref<!tpu.dma_semaphore, #tpu.memory_space<semaphore_mem>>) {add = true}
        %dma_wait3A_140 = tpu.memref_slice %arg7[%mul3A_117] : memref<5888xi32, #tpu.memory_space<vmem>> -> memref<112xi32, #tpu.memory_space<vmem>>
        %dma_wait3A_141 = arith.constant 0 : i32
        %dma_wait3A_142 = arith.constant 0 : i32
        %dma_wait3A_143 = tpu.memref_slice %arg10[%dma_wait3A_141, %dma_wait3A_142] : memref<10008x128xf32, #tpu.memory_space<vmem_shared>> -> memref<10008x128xf32, #tpu.memory_space<vmem_shared>>
        tpu.wait_indirect_dma semaphore(%run_scoped3A : memref<!tpu.dma_semaphore, #tpu.memory_space<semaphore_mem>>) src(%arg8 : memref<112x128xf32, #tpu.memory_space<vmem>>) dst(%dma_wait3A_143 : memref<10008x128xf32, #tpu.memory_space<vmem_shared>>)
        tpu.yield
      }) : () -> ()
      %add3A_118 = arith.constant 2 : i32
      %add3A_119 = arith.addi %mul3A_102, %add3A_118 : i32
      %lt3A = arith.constant 46 : i32
      %lt3A_120 = arith.cmpi slt, %add3A_119, %lt3A : i32
      %convert_element_type3A_121 = arith.extui %lt3A_120 : i1 to i32
      %cond3A_122 = arith.constant 0 : i32
      %cond3A_123 = arith.cmpi ne, %convert_element_type3A_121, %cond3A_122 : i32
      scf.if %cond3A_123 {
        %add3A_136 = arith.constant 2 : i32
        %add3A_137 = arith.addi %mul3A_102, %add3A_136 : i32
        %mul3A_138 = arith.constant 128 : i32
        %mul3A_139 = arith.muli %add3A_137, %mul3A_138 : i32
        %dma_start3A_140 = tpu.memref_slice %arg6[%mul3A_139] : memref<5888xi32, #tpu.memory_space<vmem>> -> memref<112xi32, #tpu.memory_space<vmem>>
        %dma_start3A_141 = arith.constant 0 : i32
        %dma_start3A_142 = arith.constant 0 : i32
        %dma_start3A_143 = tpu.memref_slice %arg2[%dma_start3A_141, %dma_start3A_142] : memref<10000x128xf32, #tpu.memory_space<hbm>> -> memref<10000x128xf32, #tpu.memory_space<hbm>>
        tpu.enqueue_indirect_dma source(%dma_start3A_143 : memref<10000x128xf32, #tpu.memory_space<hbm>>) target(%arg8 : memref<112x128xf32, #tpu.memory_space<vmem>>) offsets(%dma_start3A_140 : memref<112xi32, #tpu.memory_space<vmem>>) semaphore(%arg11 : memref<!tpu.dma_semaphore, #tpu.memory_space<semaphore_mem>>)
      } else {
      }
      %add3A_124 = arith.constant 1 : i32
      %add3A_125 = arith.addi %mul3A_102, %add3A_124 : i32
      %mul3A_126 = arith.constant 128 : i32
      %mul3A_127 = arith.muli %add3A_125, %mul3A_126 : i32
      %dma_wait3A_128 = tpu.memref_slice %arg6[%mul3A_127] : memref<5888xi32, #tpu.memory_space<vmem>> -> memref<112xi32, #tpu.memory_space<vmem>>
      %dma_wait3A_129 = arith.constant 0 : i32
      %dma_wait3A_130 = arith.constant 0 : i32
      %dma_wait3A_131 = tpu.memref_slice %arg2[%dma_wait3A_129, %dma_wait3A_130] : memref<10000x128xf32, #tpu.memory_space<hbm>> -> memref<10000x128xf32, #tpu.memory_space<hbm>>
      tpu.wait_indirect_dma semaphore(%arg12 : memref<!tpu.dma_semaphore, #tpu.memory_space<semaphore_mem>>) src(%dma_wait3A_131 : memref<10000x128xf32, #tpu.memory_space<hbm>>) dst(%arg9 : memref<112x128xf32, #tpu.memory_space<vmem>>)
      %add3A_132 = arith.constant 1 : i32
      %add3A_133 = arith.addi %mul3A_102, %add3A_132 : i32
      %mul3A_134 = arith.constant 128 : i32
      %mul3A_135 = arith.muli %add3A_133, %mul3A_134 : i32
      "tpu.region"() ({
        %run_scoped3A = tpu.sem_alloc : memref<!tpu.dma_semaphore, #tpu.memory_space<semaphore_mem>>
        %dma_start3A_136 = tpu.memref_slice %arg7[%mul3A_135] : memref<5888xi32, #tpu.memory_space<vmem>> -> memref<112xi32, #tpu.memory_space<vmem>>
        %dma_start3A_137 = arith.constant 0 : i32
        %dma_start3A_138 = arith.constant 0 : i32
        %dma_start3A_139 = tpu.memref_slice %arg10[%dma_start3A_137, %dma_start3A_138] : memref<10008x128xf32, #tpu.memory_space<vmem_shared>> -> memref<10008x128xf32, #tpu.memory_space<vmem_shared>>
        tpu.enqueue_indirect_dma source(%arg9 : memref<112x128xf32, #tpu.memory_space<vmem>>) target(%dma_start3A_139 : memref<10008x128xf32, #tpu.memory_space<vmem_shared>>) offsets(%dma_start3A_136 : memref<112xi32, #tpu.memory_space<vmem>>) semaphore(%run_scoped3A : memref<!tpu.dma_semaphore, #tpu.memory_space<semaphore_mem>>) {add = true}
        %dma_wait3A_140 = tpu.memref_slice %arg7[%mul3A_135] : memref<5888xi32, #tpu.memory_space<vmem>> -> memref<112xi32, #tpu.memory_space<vmem>>
        %dma_wait3A_141 = arith.constant 0 : i32
        %dma_wait3A_142 = arith.constant 0 : i32
        %dma_wait3A_143 = tpu.memref_slice %arg10[%dma_wait3A_141, %dma_wait3A_142] : memref<10008x128xf32, #tpu.memory_space<vmem_shared>> -> memref<10008x128xf32, #tpu.memory_space<vmem_shared>>
        tpu.wait_indirect_dma semaphore(%run_scoped3A : memref<!tpu.dma_semaphore, #tpu.memory_space<semaphore_mem>>) src(%arg9 : memref<112x128xf32, #tpu.memory_space<vmem>>) dst(%dma_wait3A_143 : memref<10008x128xf32, #tpu.memory_space<vmem_shared>>)
        tpu.yield
      }) : () -> ()
    }
    %scan3A_69 = arith.constant 23 : i32
    %barrier3A_70 = arith.constant 0 : index
    tpu.barrier barrier_id(%barrier3A_70)
    %mul3A_71 = arith.constant 624 : i32
    %mul3A_72 = arith.muli %arg1, %mul3A_71 : i32
    %add3A_73 = arith.constant 0 : i32
    %add3A_74 = arith.addi %mul3A_72, %add3A_73 : i32
    "tpu.region"() ({
      %run_scoped3A = tpu.sem_alloc : memref<!tpu.dma_semaphore, #tpu.memory_space<semaphore_mem>>
      %dma_start3A_100 = arith.constant 0 : i32
      %dma_start3A_101 = arith.constant 0 : i32
      %dma_start3A_102 = tpu.memref_slice %arg8[%dma_start3A_100, %dma_start3A_101] : memref<112x128xf32, #tpu.memory_space<vmem>> -> memref<104x128xf32, #tpu.memory_space<vmem>>
      %dma_start3A_103 = arith.constant 0 : i32
      %dma_start3A_104 = tpu.memref_slice %arg10[%add3A_74, %dma_start3A_103] : memref<10008x128xf32, #tpu.memory_space<vmem_shared>> -> memref<104x128xf32, #tpu.memory_space<vmem_shared>>
      %dma_start3A_105 = arith.constant 0 : i32
      %dma_start3A_106 = arith.constant 0 : i32
      %dma_start3A_107 = tpu.memref_slice %arg8[%dma_start3A_105, %dma_start3A_106] : memref<112x128xf32, #tpu.memory_space<vmem>> -> memref<104x128xf32, #tpu.memory_space<vmem>>
      %dma_start3A_108 = arith.constant 0 : i32
      %dma_start3A_109 = tpu.memref_slice %arg10[%add3A_74, %dma_start3A_108] : memref<10008x128xf32, #tpu.memory_space<vmem_shared>> -> memref<104x128xf32, #tpu.memory_space<vmem_shared>>
      tpu.enqueue_dma source(%dma_start3A_109 : memref<104x128xf32, #tpu.memory_space<vmem_shared>>) target(%dma_start3A_107 : memref<104x128xf32, #tpu.memory_space<vmem>>) target_semaphore(%run_scoped3A : memref<!tpu.dma_semaphore, #tpu.memory_space<semaphore_mem>>)
      %dma_wait3A = arith.constant 0 : i32
      %dma_wait3A_110 = arith.constant 0 : i32
      %dma_wait3A_111 = tpu.memref_slice %arg8[%dma_wait3A, %dma_wait3A_110] : memref<112x128xf32, #tpu.memory_space<vmem>> -> memref<104x128xf32, #tpu.memory_space<vmem>>
      %dma_wait3A_112 = arith.constant 0 : i32
      %dma_wait3A_113 = tpu.memref_slice %arg10[%add3A_74, %dma_wait3A_112] : memref<10008x128xf32, #tpu.memory_space<vmem_shared>> -> memref<104x128xf32, #tpu.memory_space<vmem_shared>>
      %dma_wait3A_114 = arith.constant 0 : i32
      %dma_wait3A_115 = arith.constant 0 : i32
      %dma_wait3A_116 = tpu.memref_slice %arg8[%dma_wait3A_114, %dma_wait3A_115] : memref<112x128xf32, #tpu.memory_space<vmem>> -> memref<104x128xf32, #tpu.memory_space<vmem>>
      %dma_wait3A_117 = arith.constant 0 : i32
      %dma_wait3A_118 = tpu.memref_slice %arg10[%add3A_74, %dma_wait3A_117] : memref<10008x128xf32, #tpu.memory_space<vmem_shared>> -> memref<104x128xf32, #tpu.memory_space<vmem_shared>>
      tpu.wait_dma2 semaphore(%run_scoped3A : memref<!tpu.dma_semaphore, #tpu.memory_space<semaphore_mem>>) src(%dma_wait3A_118 : memref<104x128xf32, #tpu.memory_space<vmem_shared>>) dst(%dma_wait3A_116 : memref<104x128xf32, #tpu.memory_space<vmem>>)
      tpu.yield
    }) : () -> ()
    "tpu.region"() ({
      %run_scoped3A = tpu.sem_alloc : memref<!tpu.dma_semaphore, #tpu.memory_space<semaphore_mem>>
      %dma_start3A_100 = arith.constant 0 : i32
      %dma_start3A_101 = arith.constant 0 : i32
      %dma_start3A_102 = tpu.memref_slice %arg8[%dma_start3A_100, %dma_start3A_101] : memref<112x128xf32, #tpu.memory_space<vmem>> -> memref<104x128xf32, #tpu.memory_space<vmem>>
      %dma_start3A_103 = arith.constant 0 : i32
      %dma_start3A_104 = tpu.memref_slice %arg5[%arg0, %add3A_74, %dma_start3A_103] : memref<2x10000x128xf32, #tpu.memory_space<hbm>> -> memref<1x104x128xf32, #tpu.memory_space<hbm>>
      %dma_start3A_105 = tpu.memref_squeeze %dma_start3A_104 : memref<1x104x128xf32, #tpu.memory_space<hbm>> -> memref<104x128xf32, #tpu.memory_space<hbm>>
      %dma_start3A_106 = arith.constant 0 : i32
      %dma_start3A_107 = tpu.memref_slice %arg5[%arg0, %add3A_74, %dma_start3A_106] : memref<2x10000x128xf32, #tpu.memory_space<hbm>> -> memref<1x104x128xf32, #tpu.memory_space<hbm>>
      %dma_start3A_108 = tpu.memref_squeeze %dma_start3A_107 : memref<1x104x128xf32, #tpu.memory_space<hbm>> -> memref<104x128xf32, #tpu.memory_space<hbm>>
      %dma_start3A_109 = arith.constant 0 : i32
      %dma_start3A_110 = arith.constant 0 : i32
      %dma_start3A_111 = tpu.memref_slice %arg8[%dma_start3A_109, %dma_start3A_110] : memref<112x128xf32, #tpu.memory_space<vmem>> -> memref<104x128xf32, #tpu.memory_space<vmem>>
      tpu.enqueue_dma source(%dma_start3A_111 : memref<104x128xf32, #tpu.memory_space<vmem>>) target(%dma_start3A_108 : memref<104x128xf32, #tpu.memory_space<hbm>>) target_semaphore(%run_scoped3A : memref<!tpu.dma_semaphore, #tpu.memory_space<semaphore_mem>>)
      %dma_wait3A = arith.constant 0 : i32
      %dma_wait3A_112 = arith.constant 0 : i32
      %dma_wait3A_113 = tpu.memref_slice %arg8[%dma_wait3A, %dma_wait3A_112] : memref<112x128xf32, #tpu.memory_space<vmem>> -> memref<104x128xf32, #tpu.memory_space<vmem>>
      %dma_wait3A_114 = arith.constant 0 : i32
      %dma_wait3A_115 = tpu.memref_slice %arg5[%arg0, %add3A_74, %dma_wait3A_114] : memref<2x10000x128xf32, #tpu.memory_space<hbm>> -> memref<1x104x128xf32, #tpu.memory_space<hbm>>
      %dma_wait3A_116 = tpu.memref_squeeze %dma_wait3A_115 : memref<1x104x128xf32, #tpu.memory_space<hbm>> -> memref<104x128xf32, #tpu.memory_space<hbm>>
      %dma_wait3A_117 = arith.constant 0 : i32
      %dma_wait3A_118 = tpu.memref_slice %arg5[%arg0, %add3A_74, %dma_wait3A_117] : memref<2x10000x128xf32, #tpu.memory_space<hbm>> -> memref<1x104x128xf32, #tpu.memory_space<hbm>>
      %dma_wait3A_119 = tpu.memref_squeeze %dma_wait3A_118 : memref<1x104x128xf32, #tpu.memory_space<hbm>> -> memref<104x128xf32, #tpu.memory_space<hbm>>
      %dma_wait3A_120 = arith.constant 0 : i32
      %dma_wait3A_121 = arith.constant 0 : i32
      %dma_wait3A_122 = tpu.memref_slice %arg8[%dma_wait3A_120, %dma_wait3A_121] : memref<112x128xf32, #tpu.memory_space<vmem>> -> memref<104x128xf32, #tpu.memory_space<vmem>>
      tpu.wait_dma2 semaphore(%run_scoped3A : memref<!tpu.dma_semaphore, #tpu.memory_space<semaphore_mem>>) src(%dma_wait3A_122 : memref<104x128xf32, #tpu.memory_space<vmem>>) dst(%dma_wait3A_119 : memref<104x128xf32, #tpu.memory_space<hbm>>)
      tpu.yield
    }) : () -> ()
    %mul3A_75 = arith.constant 624 : i32
    %mul3A_76 = arith.muli %arg1, %mul3A_75 : i32
    %add3A_77 = arith.constant 104 : i32
    %add3A_78 = arith.addi %mul3A_76, %add3A_77 : i32
    "tpu.region"() ({
      %run_scoped3A = tpu.sem_alloc : memref<!tpu.dma_semaphore, #tpu.memory_space<semaphore_mem>>
      %dma_start3A_100 = arith.constant 0 : i32
      %dma_start3A_101 = arith.constant 0 : i32
      %dma_start3A_102 = tpu.memref_slice %arg8[%dma_start3A_100, %dma_start3A_101] : memref<112x128xf32, #tpu.memory_space<vmem>> -> memref<104x128xf32, #tpu.memory_space<vmem>>
      %dma_start3A_103 = arith.constant 0 : i32
      %dma_start3A_104 = tpu.memref_slice %arg10[%add3A_78, %dma_start3A_103] : memref<10008x128xf32, #tpu.memory_space<vmem_shared>> -> memref<104x128xf32, #tpu.memory_space<vmem_shared>>
      %dma_start3A_105 = arith.constant 0 : i32
      %dma_start3A_106 = arith.constant 0 : i32
      %dma_start3A_107 = tpu.memref_slice %arg8[%dma_start3A_105, %dma_start3A_106] : memref<112x128xf32, #tpu.memory_space<vmem>> -> memref<104x128xf32, #tpu.memory_space<vmem>>
      %dma_start3A_108 = arith.constant 0 : i32
      %dma_start3A_109 = tpu.memref_slice %arg10[%add3A_78, %dma_start3A_108] : memref<10008x128xf32, #tpu.memory_space<vmem_shared>> -> memref<104x128xf32, #tpu.memory_space<vmem_shared>>
      tpu.enqueue_dma source(%dma_start3A_109 : memref<104x128xf32, #tpu.memory_space<vmem_shared>>) target(%dma_start3A_107 : memref<104x128xf32, #tpu.memory_space<vmem>>) target_semaphore(%run_scoped3A : memref<!tpu.dma_semaphore, #tpu.memory_space<semaphore_mem>>)
      %dma_wait3A = arith.constant 0 : i32
      %dma_wait3A_110 = arith.constant 0 : i32
      %dma_wait3A_111 = tpu.memref_slice %arg8[%dma_wait3A, %dma_wait3A_110] : memref<112x128xf32, #tpu.memory_space<vmem>> -> memref<104x128xf32, #tpu.memory_space<vmem>>
      %dma_wait3A_112 = arith.constant 0 : i32
      %dma_wait3A_113 = tpu.memref_slice %arg10[%add3A_78, %dma_wait3A_112] : memref<10008x128xf32, #tpu.memory_space<vmem_shared>> -> memref<104x128xf32, #tpu.memory_space<vmem_shared>>
      %dma_wait3A_114 = arith.constant 0 : i32
      %dma_wait3A_115 = arith.constant 0 : i32
      %dma_wait3A_116 = tpu.memref_slice %arg8[%dma_wait3A_114, %dma_wait3A_115] : memref<112x128xf32, #tpu.memory_space<vmem>> -> memref<104x128xf32, #tpu.memory_space<vmem>>
      %dma_wait3A_117 = arith.constant 0 : i32
      %dma_wait3A_118 = tpu.memref_slice %arg10[%add3A_78, %dma_wait3A_117] : memref<10008x128xf32, #tpu.memory_space<vmem_shared>> -> memref<104x128xf32, #tpu.memory_space<vmem_shared>>
      tpu.wait_dma2 semaphore(%run_scoped3A : memref<!tpu.dma_semaphore, #tpu.memory_space<semaphore_mem>>) src(%dma_wait3A_118 : memref<104x128xf32, #tpu.memory_space<vmem_shared>>) dst(%dma_wait3A_116 : memref<104x128xf32, #tpu.memory_space<vmem>>)
      tpu.yield
    }) : () -> ()
    "tpu.region"() ({
      %run_scoped3A = tpu.sem_alloc : memref<!tpu.dma_semaphore, #tpu.memory_space<semaphore_mem>>
      %dma_start3A_100 = arith.constant 0 : i32
      %dma_start3A_101 = arith.constant 0 : i32
      %dma_start3A_102 = tpu.memref_slice %arg8[%dma_start3A_100, %dma_start3A_101] : memref<112x128xf32, #tpu.memory_space<vmem>> -> memref<104x128xf32, #tpu.memory_space<vmem>>
      %dma_start3A_103 = arith.constant 0 : i32
      %dma_start3A_104 = tpu.memref_slice %arg5[%arg0, %add3A_78, %dma_start3A_103] : memref<2x10000x128xf32, #tpu.memory_space<hbm>> -> memref<1x104x128xf32, #tpu.memory_space<hbm>>
      %dma_start3A_105 = tpu.memref_squeeze %dma_start3A_104 : memref<1x104x128xf32, #tpu.memory_space<hbm>> -> memref<104x128xf32, #tpu.memory_space<hbm>>
      %dma_start3A_106 = arith.constant 0 : i32
      %dma_start3A_107 = tpu.memref_slice %arg5[%arg0, %add3A_78, %dma_start3A_106] : memref<2x10000x128xf32, #tpu.memory_space<hbm>> -> memref<1x104x128xf32, #tpu.memory_space<hbm>>
      %dma_start3A_108 = tpu.memref_squeeze %dma_start3A_107 : memref<1x104x128xf32, #tpu.memory_space<hbm>> -> memref<104x128xf32, #tpu.memory_space<hbm>>
      %dma_start3A_109 = arith.constant 0 : i32
      %dma_start3A_110 = arith.constant 0 : i32
      %dma_start3A_111 = tpu.memref_slice %arg8[%dma_start3A_109, %dma_start3A_110] : memref<112x128xf32, #tpu.memory_space<vmem>> -> memref<104x128xf32, #tpu.memory_space<vmem>>
      tpu.enqueue_dma source(%dma_start3A_111 : memref<104x128xf32, #tpu.memory_space<vmem>>) target(%dma_start3A_108 : memref<104x128xf32, #tpu.memory_space<hbm>>) target_semaphore(%run_scoped3A : memref<!tpu.dma_semaphore, #tpu.memory_space<semaphore_mem>>)
      %dma_wait3A = arith.constant 0 : i32
      %dma_wait3A_112 = arith.constant 0 : i32
      %dma_wait3A_113 = tpu.memref_slice %arg8[%dma_wait3A, %dma_wait3A_112] : memref<112x128xf32, #tpu.memory_space<vmem>> -> memref<104x128xf32, #tpu.memory_space<vmem>>
      %dma_wait3A_114 = arith.constant 0 : i32
      %dma_wait3A_115 = tpu.memref_slice %arg5[%arg0, %add3A_78, %dma_wait3A_114] : memref<2x10000x128xf32, #tpu.memory_space<hbm>> -> memref<1x104x128xf32, #tpu.memory_space<hbm>>
      %dma_wait3A_116 = tpu.memref_squeeze %dma_wait3A_115 : memref<1x104x128xf32, #tpu.memory_space<hbm>> -> memref<104x128xf32, #tpu.memory_space<hbm>>
      %dma_wait3A_117 = arith.constant 0 : i32
      %dma_wait3A_118 = tpu.memref_slice %arg5[%arg0, %add3A_78, %dma_wait3A_117] : memref<2x10000x128xf32, #tpu.memory_space<hbm>> -> memref<1x104x128xf32, #tpu.memory_space<hbm>>
      %dma_wait3A_119 = tpu.memref_squeeze %dma_wait3A_118 : memref<1x104x128xf32, #tpu.memory_space<hbm>> -> memref<104x128xf32, #tpu.memory_space<hbm>>
      %dma_wait3A_120 = arith.constant 0 : i32
      %dma_wait3A_121 = arith.constant 0 : i32
      %dma_wait3A_122 = tpu.memref_slice %arg8[%dma_wait3A_120, %dma_wait3A_121] : memref<112x128xf32, #tpu.memory_space<vmem>> -> memref<104x128xf32, #tpu.memory_space<vmem>>
      tpu.wait_dma2 semaphore(%run_scoped3A : memref<!tpu.dma_semaphore, #tpu.memory_space<semaphore_mem>>) src(%dma_wait3A_122 : memref<104x128xf32, #tpu.memory_space<vmem>>) dst(%dma_wait3A_119 : memref<104x128xf32, #tpu.memory_space<hbm>>)
      tpu.yield
    }) : () -> ()
    %mul3A_79 = arith.constant 624 : i32
    %mul3A_80 = arith.muli %arg1, %mul3A_79 : i32
    %add3A_81 = arith.constant 208 : i32
    %add3A_82 = arith.addi %mul3A_80, %add3A_81 : i32
    "tpu.region"() ({
      %run_scoped3A = tpu.sem_alloc : memref<!tpu.dma_semaphore, #tpu.memory_space<semaphore_mem>>
      %dma_start3A_100 = arith.constant 0 : i32
      %dma_start3A_101 = arith.constant 0 : i32
      %dma_start3A_102 = tpu.memref_slice %arg8[%dma_start3A_100, %dma_start3A_101] : memref<112x128xf32, #tpu.memory_space<vmem>> -> memref<104x128xf32, #tpu.memory_space<vmem>>
      %dma_start3A_103 = arith.constant 0 : i32
      %dma_start3A_104 = tpu.memref_slice %arg10[%add3A_82, %dma_start3A_103] : memref<10008x128xf32, #tpu.memory_space<vmem_shared>> -> memref<104x128xf32, #tpu.memory_space<vmem_shared>>
      %dma_start3A_105 = arith.constant 0 : i32
      %dma_start3A_106 = arith.constant 0 : i32
      %dma_start3A_107 = tpu.memref_slice %arg8[%dma_start3A_105, %dma_start3A_106] : memref<112x128xf32, #tpu.memory_space<vmem>> -> memref<104x128xf32, #tpu.memory_space<vmem>>
      %dma_start3A_108 = arith.constant 0 : i32
      %dma_start3A_109 = tpu.memref_slice %arg10[%add3A_82, %dma_start3A_108] : memref<10008x128xf32, #tpu.memory_space<vmem_shared>> -> memref<104x128xf32, #tpu.memory_space<vmem_shared>>
      tpu.enqueue_dma source(%dma_start3A_109 : memref<104x128xf32, #tpu.memory_space<vmem_shared>>) target(%dma_start3A_107 : memref<104x128xf32, #tpu.memory_space<vmem>>) target_semaphore(%run_scoped3A : memref<!tpu.dma_semaphore, #tpu.memory_space<semaphore_mem>>)
      %dma_wait3A = arith.constant 0 : i32
      %dma_wait3A_110 = arith.constant 0 : i32
      %dma_wait3A_111 = tpu.memref_slice %arg8[%dma_wait3A, %dma_wait3A_110] : memref<112x128xf32, #tpu.memory_space<vmem>> -> memref<104x128xf32, #tpu.memory_space<vmem>>
      %dma_wait3A_112 = arith.constant 0 : i32
      %dma_wait3A_113 = tpu.memref_slice %arg10[%add3A_82, %dma_wait3A_112] : memref<10008x128xf32, #tpu.memory_space<vmem_shared>> -> memref<104x128xf32, #tpu.memory_space<vmem_shared>>
      %dma_wait3A_114 = arith.constant 0 : i32
      %dma_wait3A_115 = arith.constant 0 : i32
      %dma_wait3A_116 = tpu.memref_slice %arg8[%dma_wait3A_114, %dma_wait3A_115] : memref<112x128xf32, #tpu.memory_space<vmem>> -> memref<104x128xf32, #tpu.memory_space<vmem>>
      %dma_wait3A_117 = arith.constant 0 : i32
      %dma_wait3A_118 = tpu.memref_slice %arg10[%add3A_82, %dma_wait3A_117] : memref<10008x128xf32, #tpu.memory_space<vmem_shared>> -> memref<104x128xf32, #tpu.memory_space<vmem_shared>>
      tpu.wait_dma2 semaphore(%run_scoped3A : memref<!tpu.dma_semaphore, #tpu.memory_space<semaphore_mem>>) src(%dma_wait3A_118 : memref<104x128xf32, #tpu.memory_space<vmem_shared>>) dst(%dma_wait3A_116 : memref<104x128xf32, #tpu.memory_space<vmem>>)
      tpu.yield
    }) : () -> ()
    "tpu.region"() ({
      %run_scoped3A = tpu.sem_alloc : memref<!tpu.dma_semaphore, #tpu.memory_space<semaphore_mem>>
      %dma_start3A_100 = arith.constant 0 : i32
      %dma_start3A_101 = arith.constant 0 : i32
      %dma_start3A_102 = tpu.memref_slice %arg8[%dma_start3A_100, %dma_start3A_101] : memref<112x128xf32, #tpu.memory_space<vmem>> -> memref<104x128xf32, #tpu.memory_space<vmem>>
      %dma_start3A_103 = arith.constant 0 : i32
      %dma_start3A_104 = tpu.memref_slice %arg5[%arg0, %add3A_82, %dma_start3A_103] : memref<2x10000x128xf32, #tpu.memory_space<hbm>> -> memref<1x104x128xf32, #tpu.memory_space<hbm>>
      %dma_start3A_105 = tpu.memref_squeeze %dma_start3A_104 : memref<1x104x128xf32, #tpu.memory_space<hbm>> -> memref<104x128xf32, #tpu.memory_space<hbm>>
      %dma_start3A_106 = arith.constant 0 : i32
      %dma_start3A_107 = tpu.memref_slice %arg5[%arg0, %add3A_82, %dma_start3A_106] : memref<2x10000x128xf32, #tpu.memory_space<hbm>> -> memref<1x104x128xf32, #tpu.memory_space<hbm>>
      %dma_start3A_108 = tpu.memref_squeeze %dma_start3A_107 : memref<1x104x128xf32, #tpu.memory_space<hbm>> -> memref<104x128xf32, #tpu.memory_space<hbm>>
      %dma_start3A_109 = arith.constant 0 : i32
      %dma_start3A_110 = arith.constant 0 : i32
      %dma_start3A_111 = tpu.memref_slice %arg8[%dma_start3A_109, %dma_start3A_110] : memref<112x128xf32, #tpu.memory_space<vmem>> -> memref<104x128xf32, #tpu.memory_space<vmem>>
      tpu.enqueue_dma source(%dma_start3A_111 : memref<104x128xf32, #tpu.memory_space<vmem>>) target(%dma_start3A_108 : memref<104x128xf32, #tpu.memory_space<hbm>>) target_semaphore(%run_scoped3A : memref<!tpu.dma_semaphore, #tpu.memory_space<semaphore_mem>>)
      %dma_wait3A = arith.constant 0 : i32
      %dma_wait3A_112 = arith.constant 0 : i32
      %dma_wait3A_113 = tpu.memref_slice %arg8[%dma_wait3A, %dma_wait3A_112] : memref<112x128xf32, #tpu.memory_space<vmem>> -> memref<104x128xf32, #tpu.memory_space<vmem>>
      %dma_wait3A_114 = arith.constant 0 : i32
      %dma_wait3A_115 = tpu.memref_slice %arg5[%arg0, %add3A_82, %dma_wait3A_114] : memref<2x10000x128xf32, #tpu.memory_space<hbm>> -> memref<1x104x128xf32, #tpu.memory_space<hbm>>
      %dma_wait3A_116 = tpu.memref_squeeze %dma_wait3A_115 : memref<1x104x128xf32, #tpu.memory_space<hbm>> -> memref<104x128xf32, #tpu.memory_space<hbm>>
      %dma_wait3A_117 = arith.constant 0 : i32
      %dma_wait3A_118 = tpu.memref_slice %arg5[%arg0, %add3A_82, %dma_wait3A_117] : memref<2x10000x128xf32, #tpu.memory_space<hbm>> -> memref<1x104x128xf32, #tpu.memory_space<hbm>>
      %dma_wait3A_119 = tpu.memref_squeeze %dma_wait3A_118 : memref<1x104x128xf32, #tpu.memory_space<hbm>> -> memref<104x128xf32, #tpu.memory_space<hbm>>
      %dma_wait3A_120 = arith.constant 0 : i32
      %dma_wait3A_121 = arith.constant 0 : i32
      %dma_wait3A_122 = tpu.memref_slice %arg8[%dma_wait3A_120, %dma_wait3A_121] : memref<112x128xf32, #tpu.memory_space<vmem>> -> memref<104x128xf32, #tpu.memory_space<vmem>>
      tpu.wait_dma2 semaphore(%run_scoped3A : memref<!tpu.dma_semaphore, #tpu.memory_space<semaphore_mem>>) src(%dma_wait3A_122 : memref<104x128xf32, #tpu.memory_space<vmem>>) dst(%dma_wait3A_119 : memref<104x128xf32, #tpu.memory_space<hbm>>)
      tpu.yield
    }) : () -> ()
    %mul3A_83 = arith.constant 624 : i32
    %mul3A_84 = arith.muli %arg1, %mul3A_83 : i32
    %add3A_85 = arith.constant 312 : i32
    %add3A_86 = arith.addi %mul3A_84, %add3A_85 : i32
    "tpu.region"() ({
      %run_scoped3A = tpu.sem_alloc : memref<!tpu.dma_semaphore, #tpu.memory_space<semaphore_mem>>
      %dma_start3A_100 = arith.constant 0 : i32
      %dma_start3A_101 = arith.constant 0 : i32
      %dma_start3A_102 = tpu.memref_slice %arg8[%dma_start3A_100, %dma_start3A_101] : memref<112x128xf32, #tpu.memory_space<vmem>> -> memref<104x128xf32, #tpu.memory_space<vmem>>
      %dma_start3A_103 = arith.constant 0 : i32
      %dma_start3A_104 = tpu.memref_slice %arg10[%add3A_86, %dma_start3A_103] : memref<10008x128xf32, #tpu.memory_space<vmem_shared>> -> memref<104x128xf32, #tpu.memory_space<vmem_shared>>
      %dma_start3A_105 = arith.constant 0 : i32
      %dma_start3A_106 = arith.constant 0 : i32
      %dma_start3A_107 = tpu.memref_slice %arg8[%dma_start3A_105, %dma_start3A_106] : memref<112x128xf32, #tpu.memory_space<vmem>> -> memref<104x128xf32, #tpu.memory_space<vmem>>
      %dma_start3A_108 = arith.constant 0 : i32
      %dma_start3A_109 = tpu.memref_slice %arg10[%add3A_86, %dma_start3A_108] : memref<10008x128xf32, #tpu.memory_space<vmem_shared>> -> memref<104x128xf32, #tpu.memory_space<vmem_shared>>
      tpu.enqueue_dma source(%dma_start3A_109 : memref<104x128xf32, #tpu.memory_space<vmem_shared>>) target(%dma_start3A_107 : memref<104x128xf32, #tpu.memory_space<vmem>>) target_semaphore(%run_scoped3A : memref<!tpu.dma_semaphore, #tpu.memory_space<semaphore_mem>>)
      %dma_wait3A = arith.constant 0 : i32
      %dma_wait3A_110 = arith.constant 0 : i32
      %dma_wait3A_111 = tpu.memref_slice %arg8[%dma_wait3A, %dma_wait3A_110] : memref<112x128xf32, #tpu.memory_space<vmem>> -> memref<104x128xf32, #tpu.memory_space<vmem>>
      %dma_wait3A_112 = arith.constant 0 : i32
      %dma_wait3A_113 = tpu.memref_slice %arg10[%add3A_86, %dma_wait3A_112] : memref<10008x128xf32, #tpu.memory_space<vmem_shared>> -> memref<104x128xf32, #tpu.memory_space<vmem_shared>>
      %dma_wait3A_114 = arith.constant 0 : i32
      %dma_wait3A_115 = arith.constant 0 : i32
      %dma_wait3A_116 = tpu.memref_slice %arg8[%dma_wait3A_114, %dma_wait3A_115] : memref<112x128xf32, #tpu.memory_space<vmem>> -> memref<104x128xf32, #tpu.memory_space<vmem>>
      %dma_wait3A_117 = arith.constant 0 : i32
      %dma_wait3A_118 = tpu.memref_slice %arg10[%add3A_86, %dma_wait3A_117] : memref<10008x128xf32, #tpu.memory_space<vmem_shared>> -> memref<104x128xf32, #tpu.memory_space<vmem_shared>>
      tpu.wait_dma2 semaphore(%run_scoped3A : memref<!tpu.dma_semaphore, #tpu.memory_space<semaphore_mem>>) src(%dma_wait3A_118 : memref<104x128xf32, #tpu.memory_space<vmem_shared>>) dst(%dma_wait3A_116 : memref<104x128xf32, #tpu.memory_space<vmem>>)
      tpu.yield
    }) : () -> ()
    "tpu.region"() ({
      %run_scoped3A = tpu.sem_alloc : memref<!tpu.dma_semaphore, #tpu.memory_space<semaphore_mem>>
      %dma_start3A_100 = arith.constant 0 : i32
      %dma_start3A_101 = arith.constant 0 : i32
      %dma_start3A_102 = tpu.memref_slice %arg8[%dma_start3A_100, %dma_start3A_101] : memref<112x128xf32, #tpu.memory_space<vmem>> -> memref<104x128xf32, #tpu.memory_space<vmem>>
      %dma_start3A_103 = arith.constant 0 : i32
      %dma_start3A_104 = tpu.memref_slice %arg5[%arg0, %add3A_86, %dma_start3A_103] : memref<2x10000x128xf32, #tpu.memory_space<hbm>> -> memref<1x104x128xf32, #tpu.memory_space<hbm>>
      %dma_start3A_105 = tpu.memref_squeeze %dma_start3A_104 : memref<1x104x128xf32, #tpu.memory_space<hbm>> -> memref<104x128xf32, #tpu.memory_space<hbm>>
      %dma_start3A_106 = arith.constant 0 : i32
      %dma_start3A_107 = tpu.memref_slice %arg5[%arg0, %add3A_86, %dma_start3A_106] : memref<2x10000x128xf32, #tpu.memory_space<hbm>> -> memref<1x104x128xf32, #tpu.memory_space<hbm>>
      %dma_start3A_108 = tpu.memref_squeeze %dma_start3A_107 : memref<1x104x128xf32, #tpu.memory_space<hbm>> -> memref<104x128xf32, #tpu.memory_space<hbm>>
      %dma_start3A_109 = arith.constant 0 : i32
      %dma_start3A_110 = arith.constant 0 : i32
      %dma_start3A_111 = tpu.memref_slice %arg8[%dma_start3A_109, %dma_start3A_110] : memref<112x128xf32, #tpu.memory_space<vmem>> -> memref<104x128xf32, #tpu.memory_space<vmem>>
      tpu.enqueue_dma source(%dma_start3A_111 : memref<104x128xf32, #tpu.memory_space<vmem>>) target(%dma_start3A_108 : memref<104x128xf32, #tpu.memory_space<hbm>>) target_semaphore(%run_scoped3A : memref<!tpu.dma_semaphore, #tpu.memory_space<semaphore_mem>>)
      %dma_wait3A = arith.constant 0 : i32
      %dma_wait3A_112 = arith.constant 0 : i32
      %dma_wait3A_113 = tpu.memref_slice %arg8[%dma_wait3A, %dma_wait3A_112] : memref<112x128xf32, #tpu.memory_space<vmem>> -> memref<104x128xf32, #tpu.memory_space<vmem>>
      %dma_wait3A_114 = arith.constant 0 : i32
      %dma_wait3A_115 = tpu.memref_slice %arg5[%arg0, %add3A_86, %dma_wait3A_114] : memref<2x10000x128xf32, #tpu.memory_space<hbm>> -> memref<1x104x128xf32, #tpu.memory_space<hbm>>
      %dma_wait3A_116 = tpu.memref_squeeze %dma_wait3A_115 : memref<1x104x128xf32, #tpu.memory_space<hbm>> -> memref<104x128xf32, #tpu.memory_space<hbm>>
      %dma_wait3A_117 = arith.constant 0 : i32
      %dma_wait3A_118 = tpu.memref_slice %arg5[%arg0, %add3A_86, %dma_wait3A_117] : memref<2x10000x128xf32, #tpu.memory_space<hbm>> -> memref<1x104x128xf32, #tpu.memory_space<hbm>>
      %dma_wait3A_119 = tpu.memref_squeeze %dma_wait3A_118 : memref<1x104x128xf32, #tpu.memory_space<hbm>> -> memref<104x128xf32, #tpu.memory_space<hbm>>
      %dma_wait3A_120 = arith.constant 0 : i32
      %dma_wait3A_121 = arith.constant 0 : i32
      %dma_wait3A_122 = tpu.memref_slice %arg8[%dma_wait3A_120, %dma_wait3A_121] : memref<112x128xf32, #tpu.memory_space<vmem>> -> memref<104x128xf32, #tpu.memory_space<vmem>>
      tpu.wait_dma2 semaphore(%run_scoped3A : memref<!tpu.dma_semaphore, #tpu.memory_space<semaphore_mem>>) src(%dma_wait3A_122 : memref<104x128xf32, #tpu.memory_space<vmem>>) dst(%dma_wait3A_119 : memref<104x128xf32, #tpu.memory_space<hbm>>)
      tpu.yield
    }) : () -> ()
    %mul3A_87 = arith.constant 624 : i32
    %mul3A_88 = arith.muli %arg1, %mul3A_87 : i32
    %add3A_89 = arith.constant 416 : i32
    %add3A_90 = arith.addi %mul3A_88, %add3A_89 : i32
    "tpu.region"() ({
      %run_scoped3A = tpu.sem_alloc : memref<!tpu.dma_semaphore, #tpu.memory_space<semaphore_mem>>
      %dma_start3A_100 = arith.constant 0 : i32
      %dma_start3A_101 = arith.constant 0 : i32
      %dma_start3A_102 = tpu.memref_slice %arg8[%dma_start3A_100, %dma_start3A_101] : memref<112x128xf32, #tpu.memory_space<vmem>> -> memref<104x128xf32, #tpu.memory_space<vmem>>
      %dma_start3A_103 = arith.constant 0 : i32
      %dma_start3A_104 = tpu.memref_slice %arg10[%add3A_90, %dma_start3A_103] : memref<10008x128xf32, #tpu.memory_space<vmem_shared>> -> memref<104x128xf32, #tpu.memory_space<vmem_shared>>
      %dma_start3A_105 = arith.constant 0 : i32
      %dma_start3A_106 = arith.constant 0 : i32
      %dma_start3A_107 = tpu.memref_slice %arg8[%dma_start3A_105, %dma_start3A_106] : memref<112x128xf32, #tpu.memory_space<vmem>> -> memref<104x128xf32, #tpu.memory_space<vmem>>
      %dma_start3A_108 = arith.constant 0 : i32
      %dma_start3A_109 = tpu.memref_slice %arg10[%add3A_90, %dma_start3A_108] : memref<10008x128xf32, #tpu.memory_space<vmem_shared>> -> memref<104x128xf32, #tpu.memory_space<vmem_shared>>
      tpu.enqueue_dma source(%dma_start3A_109 : memref<104x128xf32, #tpu.memory_space<vmem_shared>>) target(%dma_start3A_107 : memref<104x128xf32, #tpu.memory_space<vmem>>) target_semaphore(%run_scoped3A : memref<!tpu.dma_semaphore, #tpu.memory_space<semaphore_mem>>)
      %dma_wait3A = arith.constant 0 : i32
      %dma_wait3A_110 = arith.constant 0 : i32
      %dma_wait3A_111 = tpu.memref_slice %arg8[%dma_wait3A, %dma_wait3A_110] : memref<112x128xf32, #tpu.memory_space<vmem>> -> memref<104x128xf32, #tpu.memory_space<vmem>>
      %dma_wait3A_112 = arith.constant 0 : i32
      %dma_wait3A_113 = tpu.memref_slice %arg10[%add3A_90, %dma_wait3A_112] : memref<10008x128xf32, #tpu.memory_space<vmem_shared>> -> memref<104x128xf32, #tpu.memory_space<vmem_shared>>
      %dma_wait3A_114 = arith.constant 0 : i32
      %dma_wait3A_115 = arith.constant 0 : i32
      %dma_wait3A_116 = tpu.memref_slice %arg8[%dma_wait3A_114, %dma_wait3A_115] : memref<112x128xf32, #tpu.memory_space<vmem>> -> memref<104x128xf32, #tpu.memory_space<vmem>>
      %dma_wait3A_117 = arith.constant 0 : i32
      %dma_wait3A_118 = tpu.memref_slice %arg10[%add3A_90, %dma_wait3A_117] : memref<10008x128xf32, #tpu.memory_space<vmem_shared>> -> memref<104x128xf32, #tpu.memory_space<vmem_shared>>
      tpu.wait_dma2 semaphore(%run_scoped3A : memref<!tpu.dma_semaphore, #tpu.memory_space<semaphore_mem>>) src(%dma_wait3A_118 : memref<104x128xf32, #tpu.memory_space<vmem_shared>>) dst(%dma_wait3A_116 : memref<104x128xf32, #tpu.memory_space<vmem>>)
      tpu.yield
    }) : () -> ()
    "tpu.region"() ({
      %run_scoped3A = tpu.sem_alloc : memref<!tpu.dma_semaphore, #tpu.memory_space<semaphore_mem>>
      %dma_start3A_100 = arith.constant 0 : i32
      %dma_start3A_101 = arith.constant 0 : i32
      %dma_start3A_102 = tpu.memref_slice %arg8[%dma_start3A_100, %dma_start3A_101] : memref<112x128xf32, #tpu.memory_space<vmem>> -> memref<104x128xf32, #tpu.memory_space<vmem>>
      %dma_start3A_103 = arith.constant 0 : i32
      %dma_start3A_104 = tpu.memref_slice %arg5[%arg0, %add3A_90, %dma_start3A_103] : memref<2x10000x128xf32, #tpu.memory_space<hbm>> -> memref<1x104x128xf32, #tpu.memory_space<hbm>>
      %dma_start3A_105 = tpu.memref_squeeze %dma_start3A_104 : memref<1x104x128xf32, #tpu.memory_space<hbm>> -> memref<104x128xf32, #tpu.memory_space<hbm>>
      %dma_start3A_106 = arith.constant 0 : i32
      %dma_start3A_107 = tpu.memref_slice %arg5[%arg0, %add3A_90, %dma_start3A_106] : memref<2x10000x128xf32, #tpu.memory_space<hbm>> -> memref<1x104x128xf32, #tpu.memory_space<hbm>>
      %dma_start3A_108 = tpu.memref_squeeze %dma_start3A_107 : memref<1x104x128xf32, #tpu.memory_space<hbm>> -> memref<104x128xf32, #tpu.memory_space<hbm>>
      %dma_start3A_109 = arith.constant 0 : i32
      %dma_start3A_110 = arith.constant 0 : i32
      %dma_start3A_111 = tpu.memref_slice %arg8[%dma_start3A_109, %dma_start3A_110] : memref<112x128xf32, #tpu.memory_space<vmem>> -> memref<104x128xf32, #tpu.memory_space<vmem>>
      tpu.enqueue_dma source(%dma_start3A_111 : memref<104x128xf32, #tpu.memory_space<vmem>>) target(%dma_start3A_108 : memref<104x128xf32, #tpu.memory_space<hbm>>) target_semaphore(%run_scoped3A : memref<!tpu.dma_semaphore, #tpu.memory_space<semaphore_mem>>)
      %dma_wait3A = arith.constant 0 : i32
      %dma_wait3A_112 = arith.constant 0 : i32
      %dma_wait3A_113 = tpu.memref_slice %arg8[%dma_wait3A, %dma_wait3A_112] : memref<112x128xf32, #tpu.memory_space<vmem>> -> memref<104x128xf32, #tpu.memory_space<vmem>>
      %dma_wait3A_114 = arith.constant 0 : i32
      %dma_wait3A_115 = tpu.memref_slice %arg5[%arg0, %add3A_90, %dma_wait3A_114] : memref<2x10000x128xf32, #tpu.memory_space<hbm>> -> memref<1x104x128xf32, #tpu.memory_space<hbm>>
      %dma_wait3A_116 = tpu.memref_squeeze %dma_wait3A_115 : memref<1x104x128xf32, #tpu.memory_space<hbm>> -> memref<104x128xf32, #tpu.memory_space<hbm>>
      %dma_wait3A_117 = arith.constant 0 : i32
      %dma_wait3A_118 = tpu.memref_slice %arg5[%arg0, %add3A_90, %dma_wait3A_117] : memref<2x10000x128xf32, #tpu.memory_space<hbm>> -> memref<1x104x128xf32, #tpu.memory_space<hbm>>
      %dma_wait3A_119 = tpu.memref_squeeze %dma_wait3A_118 : memref<1x104x128xf32, #tpu.memory_space<hbm>> -> memref<104x128xf32, #tpu.memory_space<hbm>>
      %dma_wait3A_120 = arith.constant 0 : i32
      %dma_wait3A_121 = arith.constant 0 : i32
      %dma_wait3A_122 = tpu.memref_slice %arg8[%dma_wait3A_120, %dma_wait3A_121] : memref<112x128xf32, #tpu.memory_space<vmem>> -> memref<104x128xf32, #tpu.memory_space<vmem>>
      tpu.wait_dma2 semaphore(%run_scoped3A : memref<!tpu.dma_semaphore, #tpu.memory_space<semaphore_mem>>) src(%dma_wait3A_122 : memref<104x128xf32, #tpu.memory_space<vmem>>) dst(%dma_wait3A_119 : memref<104x128xf32, #tpu.memory_space<hbm>>)
      tpu.yield
    }) : () -> ()
    %mul3A_91 = arith.constant 624 : i32
    %mul3A_92 = arith.muli %arg1, %mul3A_91 : i32
    %add3A_93 = arith.constant 520 : i32
    %add3A_94 = arith.addi %mul3A_92, %add3A_93 : i32
    "tpu.region"() ({
      %run_scoped3A = tpu.sem_alloc : memref<!tpu.dma_semaphore, #tpu.memory_space<semaphore_mem>>
      %dma_start3A_100 = arith.constant 0 : i32
      %dma_start3A_101 = arith.constant 0 : i32
      %dma_start3A_102 = tpu.memref_slice %arg8[%dma_start3A_100, %dma_start3A_101] : memref<112x128xf32, #tpu.memory_space<vmem>> -> memref<104x128xf32, #tpu.memory_space<vmem>>
      %dma_start3A_103 = arith.constant 0 : i32
      %dma_start3A_104 = tpu.memref_slice %arg10[%add3A_94, %dma_start3A_103] : memref<10008x128xf32, #tpu.memory_space<vmem_shared>> -> memref<104x128xf32, #tpu.memory_space<vmem_shared>>
      %dma_start3A_105 = arith.constant 0 : i32
      %dma_start3A_106 = arith.constant 0 : i32
      %dma_start3A_107 = tpu.memref_slice %arg8[%dma_start3A_105, %dma_start3A_106] : memref<112x128xf32, #tpu.memory_space<vmem>> -> memref<104x128xf32, #tpu.memory_space<vmem>>
      %dma_start3A_108 = arith.constant 0 : i32
      %dma_start3A_109 = tpu.memref_slice %arg10[%add3A_94, %dma_start3A_108] : memref<10008x128xf32, #tpu.memory_space<vmem_shared>> -> memref<104x128xf32, #tpu.memory_space<vmem_shared>>
      tpu.enqueue_dma source(%dma_start3A_109 : memref<104x128xf32, #tpu.memory_space<vmem_shared>>) target(%dma_start3A_107 : memref<104x128xf32, #tpu.memory_space<vmem>>) target_semaphore(%run_scoped3A : memref<!tpu.dma_semaphore, #tpu.memory_space<semaphore_mem>>)
      %dma_wait3A = arith.constant 0 : i32
      %dma_wait3A_110 = arith.constant 0 : i32
      %dma_wait3A_111 = tpu.memref_slice %arg8[%dma_wait3A, %dma_wait3A_110] : memref<112x128xf32, #tpu.memory_space<vmem>> -> memref<104x128xf32, #tpu.memory_space<vmem>>
      %dma_wait3A_112 = arith.constant 0 : i32
      %dma_wait3A_113 = tpu.memref_slice %arg10[%add3A_94, %dma_wait3A_112] : memref<10008x128xf32, #tpu.memory_space<vmem_shared>> -> memref<104x128xf32, #tpu.memory_space<vmem_shared>>
      %dma_wait3A_114 = arith.constant 0 : i32
      %dma_wait3A_115 = arith.constant 0 : i32
      %dma_wait3A_116 = tpu.memref_slice %arg8[%dma_wait3A_114, %dma_wait3A_115] : memref<112x128xf32, #tpu.memory_space<vmem>> -> memref<104x128xf32, #tpu.memory_space<vmem>>
      %dma_wait3A_117 = arith.constant 0 : i32
      %dma_wait3A_118 = tpu.memref_slice %arg10[%add3A_94, %dma_wait3A_117] : memref<10008x128xf32, #tpu.memory_space<vmem_shared>> -> memref<104x128xf32, #tpu.memory_space<vmem_shared>>
      tpu.wait_dma2 semaphore(%run_scoped3A : memref<!tpu.dma_semaphore, #tpu.memory_space<semaphore_mem>>) src(%dma_wait3A_118 : memref<104x128xf32, #tpu.memory_space<vmem_shared>>) dst(%dma_wait3A_116 : memref<104x128xf32, #tpu.memory_space<vmem>>)
      tpu.yield
    }) : () -> ()
    "tpu.region"() ({
      %run_scoped3A = tpu.sem_alloc : memref<!tpu.dma_semaphore, #tpu.memory_space<semaphore_mem>>
      %dma_start3A_100 = arith.constant 0 : i32
      %dma_start3A_101 = arith.constant 0 : i32
      %dma_start3A_102 = tpu.memref_slice %arg8[%dma_start3A_100, %dma_start3A_101] : memref<112x128xf32, #tpu.memory_space<vmem>> -> memref<104x128xf32, #tpu.memory_space<vmem>>
      %dma_start3A_103 = arith.constant 0 : i32
      %dma_start3A_104 = tpu.memref_slice %arg5[%arg0, %add3A_94, %dma_start3A_103] : memref<2x10000x128xf32, #tpu.memory_space<hbm>> -> memref<1x104x128xf32, #tpu.memory_space<hbm>>
      %dma_start3A_105 = tpu.memref_squeeze %dma_start3A_104 : memref<1x104x128xf32, #tpu.memory_space<hbm>> -> memref<104x128xf32, #tpu.memory_space<hbm>>
      %dma_start3A_106 = arith.constant 0 : i32
      %dma_start3A_107 = tpu.memref_slice %arg5[%arg0, %add3A_94, %dma_start3A_106] : memref<2x10000x128xf32, #tpu.memory_space<hbm>> -> memref<1x104x128xf32, #tpu.memory_space<hbm>>
      %dma_start3A_108 = tpu.memref_squeeze %dma_start3A_107 : memref<1x104x128xf32, #tpu.memory_space<hbm>> -> memref<104x128xf32, #tpu.memory_space<hbm>>
      %dma_start3A_109 = arith.constant 0 : i32
      %dma_start3A_110 = arith.constant 0 : i32
      %dma_start3A_111 = tpu.memref_slice %arg8[%dma_start3A_109, %dma_start3A_110] : memref<112x128xf32, #tpu.memory_space<vmem>> -> memref<104x128xf32, #tpu.memory_space<vmem>>
      tpu.enqueue_dma source(%dma_start3A_111 : memref<104x128xf32, #tpu.memory_space<vmem>>) target(%dma_start3A_108 : memref<104x128xf32, #tpu.memory_space<hbm>>) target_semaphore(%run_scoped3A : memref<!tpu.dma_semaphore, #tpu.memory_space<semaphore_mem>>)
      %dma_wait3A = arith.constant 0 : i32
      %dma_wait3A_112 = arith.constant 0 : i32
      %dma_wait3A_113 = tpu.memref_slice %arg8[%dma_wait3A, %dma_wait3A_112] : memref<112x128xf32, #tpu.memory_space<vmem>> -> memref<104x128xf32, #tpu.memory_space<vmem>>
      %dma_wait3A_114 = arith.constant 0 : i32
      %dma_wait3A_115 = tpu.memref_slice %arg5[%arg0, %add3A_94, %dma_wait3A_114] : memref<2x10000x128xf32, #tpu.memory_space<hbm>> -> memref<1x104x128xf32, #tpu.memory_space<hbm>>
      %dma_wait3A_116 = tpu.memref_squeeze %dma_wait3A_115 : memref<1x104x128xf32, #tpu.memory_space<hbm>> -> memref<104x128xf32, #tpu.memory_space<hbm>>
      %dma_wait3A_117 = arith.constant 0 : i32
      %dma_wait3A_118 = tpu.memref_slice %arg5[%arg0, %add3A_94, %dma_wait3A_117] : memref<2x10000x128xf32, #tpu.memory_space<hbm>> -> memref<1x104x128xf32, #tpu.memory_space<hbm>>
      %dma_wait3A_119 = tpu.memref_squeeze %dma_wait3A_118 : memref<1x104x128xf32, #tpu.memory_space<hbm>> -> memref<104x128xf32, #tpu.memory_space<hbm>>
      %dma_wait3A_120 = arith.constant 0 : i32
      %dma_wait3A_121 = arith.constant 0 : i32
      %dma_wait3A_122 = tpu.memref_slice %arg8[%dma_wait3A_120, %dma_wait3A_121] : memref<112x128xf32, #tpu.memory_space<vmem>> -> memref<104x128xf32, #tpu.memory_space<vmem>>
      tpu.wait_dma2 semaphore(%run_scoped3A : memref<!tpu.dma_semaphore, #tpu.memory_space<semaphore_mem>>) src(%dma_wait3A_122 : memref<104x128xf32, #tpu.memory_space<vmem>>) dst(%dma_wait3A_119 : memref<104x128xf32, #tpu.memory_space<hbm>>)
      tpu.yield
    }) : () -> ()
    %eq3A_95 = arith.constant 15 : i32
    %eq3A_96 = arith.cmpi eq, %arg1, %eq3A_95 : i32
    %convert_element_type3A_97 = arith.extui %eq3A_96 : i1 to i32
    %cond3A_98 = arith.constant 0 : i32
    %cond3A_99 = arith.cmpi ne, %convert_element_type3A_97, %cond3A_98 : i32
    scf.if %cond3A_99 {
      "tpu.region"() ({
        %run_scoped3A = tpu.sem_alloc : memref<!tpu.dma_semaphore, #tpu.memory_space<semaphore_mem>>
        %dma_start3A_100 = arith.constant 0 : i32
        %dma_start3A_101 = arith.constant 0 : i32
        %dma_start3A_102 = tpu.memref_slice %arg9[%dma_start3A_100, %dma_start3A_101] : memref<112x128xf32, #tpu.memory_space<vmem>> -> memref<16x128xf32, #tpu.memory_space<vmem>>
        %dma_start3A_103 = arith.constant 9984 : i32
        %dma_start3A_104 = arith.constant 0 : i32
        %dma_start3A_105 = tpu.memref_slice %arg10[%dma_start3A_103, %dma_start3A_104] : memref<10008x128xf32, #tpu.memory_space<vmem_shared>> -> memref<16x128xf32, #tpu.memory_space<vmem_shared>>
        %dma_start3A_106 = arith.constant 0 : i32
        %dma_start3A_107 = arith.constant 0 : i32
        %dma_start3A_108 = tpu.memref_slice %arg9[%dma_start3A_106, %dma_start3A_107] : memref<112x128xf32, #tpu.memory_space<vmem>> -> memref<16x128xf32, #tpu.memory_space<vmem>>
        %dma_start3A_109 = arith.constant 9984 : i32
        %dma_start3A_110 = arith.constant 0 : i32
        %dma_start3A_111 = tpu.memref_slice %arg10[%dma_start3A_109, %dma_start3A_110] : memref<10008x128xf32, #tpu.memory_space<vmem_shared>> -> memref<16x128xf32, #tpu.memory_space<vmem_shared>>
        tpu.enqueue_dma source(%dma_start3A_111 : memref<16x128xf32, #tpu.memory_space<vmem_shared>>) target(%dma_start3A_108 : memref<16x128xf32, #tpu.memory_space<vmem>>) target_semaphore(%run_scoped3A : memref<!tpu.dma_semaphore, #tpu.memory_space<semaphore_mem>>)
        %dma_wait3A = arith.constant 0 : i32
        %dma_wait3A_112 = arith.constant 0 : i32
        %dma_wait3A_113 = tpu.memref_slice %arg9[%dma_wait3A, %dma_wait3A_112] : memref<112x128xf32, #tpu.memory_space<vmem>> -> memref<16x128xf32, #tpu.memory_space<vmem>>
        %dma_wait3A_114 = arith.constant 9984 : i32
        %dma_wait3A_115 = arith.constant 0 : i32
        %dma_wait3A_116 = tpu.memref_slice %arg10[%dma_wait3A_114, %dma_wait3A_115] : memref<10008x128xf32, #tpu.memory_space<vmem_shared>> -> memref<16x128xf32, #tpu.memory_space<vmem_shared>>
        %dma_wait3A_117 = arith.constant 0 : i32
        %dma_wait3A_118 = arith.constant 0 : i32
        %dma_wait3A_119 = tpu.memref_slice %arg9[%dma_wait3A_117, %dma_wait3A_118] : memref<112x128xf32, #tpu.memory_space<vmem>> -> memref<16x128xf32, #tpu.memory_space<vmem>>
        %dma_wait3A_120 = arith.constant 9984 : i32
        %dma_wait3A_121 = arith.constant 0 : i32
        %dma_wait3A_122 = tpu.memref_slice %arg10[%dma_wait3A_120, %dma_wait3A_121] : memref<10008x128xf32, #tpu.memory_space<vmem_shared>> -> memref<16x128xf32, #tpu.memory_space<vmem_shared>>
        tpu.wait_dma2 semaphore(%run_scoped3A : memref<!tpu.dma_semaphore, #tpu.memory_space<semaphore_mem>>) src(%dma_wait3A_122 : memref<16x128xf32, #tpu.memory_space<vmem_shared>>) dst(%dma_wait3A_119 : memref<16x128xf32, #tpu.memory_space<vmem>>)
        tpu.yield
      }) : () -> ()
      "tpu.region"() ({
        %run_scoped3A = tpu.sem_alloc : memref<!tpu.dma_semaphore, #tpu.memory_space<semaphore_mem>>
        %dma_start3A_100 = arith.constant 0 : i32
        %dma_start3A_101 = arith.constant 0 : i32
        %dma_start3A_102 = tpu.memref_slice %arg9[%dma_start3A_100, %dma_start3A_101] : memref<112x128xf32, #tpu.memory_space<vmem>> -> memref<16x128xf32, #tpu.memory_space<vmem>>
        %dma_start3A_103 = arith.constant 9984 : i32
        %dma_start3A_104 = arith.constant 0 : i32
        %dma_start3A_105 = tpu.memref_slice %arg5[%arg0, %dma_start3A_103, %dma_start3A_104] : memref<2x10000x128xf32, #tpu.memory_space<hbm>> -> memref<1x16x128xf32, #tpu.memory_space<hbm>>
        %dma_start3A_106 = tpu.memref_squeeze %dma_start3A_105 : memref<1x16x128xf32, #tpu.memory_space<hbm>> -> memref<16x128xf32, #tpu.memory_space<hbm>>
        %dma_start3A_107 = arith.constant 9984 : i32
        %dma_start3A_108 = arith.constant 0 : i32
        %dma_start3A_109 = tpu.memref_slice %arg5[%arg0, %dma_start3A_107, %dma_start3A_108] : memref<2x10000x128xf32, #tpu.memory_space<hbm>> -> memref<1x16x128xf32, #tpu.memory_space<hbm>>
        %dma_start3A_110 = tpu.memref_squeeze %dma_start3A_109 : memref<1x16x128xf32, #tpu.memory_space<hbm>> -> memref<16x128xf32, #tpu.memory_space<hbm>>
        %dma_start3A_111 = arith.constant 0 : i32
        %dma_start3A_112 = arith.constant 0 : i32
        %dma_start3A_113 = tpu.memref_slice %arg9[%dma_start3A_111, %dma_start3A_112] : memref<112x128xf32, #tpu.memory_space<vmem>> -> memref<16x128xf32, #tpu.memory_space<vmem>>
        tpu.enqueue_dma source(%dma_start3A_113 : memref<16x128xf32, #tpu.memory_space<vmem>>) target(%dma_start3A_110 : memref<16x128xf32, #tpu.memory_space<hbm>>) target_semaphore(%run_scoped3A : memref<!tpu.dma_semaphore, #tpu.memory_space<semaphore_mem>>)
        %dma_wait3A = arith.constant 0 : i32
        %dma_wait3A_114 = arith.constant 0 : i32
        %dma_wait3A_115 = tpu.memref_slice %arg9[%dma_wait3A, %dma_wait3A_114] : memref<112x128xf32, #tpu.memory_space<vmem>> -> memref<16x128xf32, #tpu.memory_space<vmem>>
        %dma_wait3A_116 = arith.constant 9984 : i32
        %dma_wait3A_117 = arith.constant 0 : i32
        %dma_wait3A_118 = tpu.memref_slice %arg5[%arg0, %dma_wait3A_116, %dma_wait3A_117] : memref<2x10000x128xf32, #tpu.memory_space<hbm>> -> memref<1x16x128xf32, #tpu.memory_space<hbm>>
        %dma_wait3A_119 = tpu.memref_squeeze %dma_wait3A_118 : memref<1x16x128xf32, #tpu.memory_space<hbm>> -> memref<16x128xf32, #tpu.memory_space<hbm>>
        %dma_wait3A_120 = arith.constant 9984 : i32
        %dma_wait3A_121 = arith.constant 0 : i32
        %dma_wait3A_122 = tpu.memref_slice %arg5[%arg0, %dma_wait3A_120, %dma_wait3A_121] : memref<2x10000x128xf32, #tpu.memory_space<hbm>> -> memref<1x16x128xf32, #tpu.memory_space<hbm>>
        %dma_wait3A_123 = tpu.memref_squeeze %dma_wait3A_122 : memref<1x16x128xf32, #tpu.memory_space<hbm>> -> memref<16x128xf32, #tpu.memory_space<hbm>>
        %dma_wait3A_124 = arith.constant 0 : i32
        %dma_wait3A_125 = arith.constant 0 : i32
        %dma_wait3A_126 = tpu.memref_slice %arg9[%dma_wait3A_124, %dma_wait3A_125] : memref<112x128xf32, #tpu.memory_space<vmem>> -> memref<16x128xf32, #tpu.memory_space<vmem>>
        tpu.wait_dma2 semaphore(%run_scoped3A : memref<!tpu.dma_semaphore, #tpu.memory_space<semaphore_mem>>) src(%dma_wait3A_126 : memref<16x128xf32, #tpu.memory_space<vmem>>) dst(%dma_wait3A_123 : memref<16x128xf32, #tpu.memory_space<hbm>>)
        tpu.yield
      }) : () -> ()
    } else {
    }
    return
  }
}

module attributes {stable_mosaic.version = 14 : i64} {
  func.func @body(%arg0: i32, %arg1: memref<2000x128xf32, #tpu.memory_space<vmem>>, %arg2: memref<2000x128xf32, #tpu.memory_space<vmem>>, %arg3: memref<2000x128xf32, #tpu.memory_space<vmem>>, %arg4: memref<128x128xf32, #tpu.memory_space<vmem>>, %arg5: memref<1x128xf32, #tpu.memory_space<vmem>>, %arg6: memref<1x128xf32, #tpu.memory_space<vmem>>, %arg7: memref<1x128xf32, #tpu.memory_space<vmem>>, %arg8: memref<2000x128xf32, #tpu.memory_space<vmem>>) attributes {dimension_semantics = [#tpu.dimension_semantics<arbitrary>], iteration_bounds = array<i64: 5>, scalar_prefetch = 0 : i64, scratch_operands = 0 : i64, tpu.core_type = #tpu.core_type<tc>, window_params = [{transform_indices = @transform_0, window_bounds = array<i64: 2000, 128>}, {transform_indices = @transform_1, window_bounds = array<i64: 2000, 128>}, {transform_indices = @transform_2, window_bounds = array<i64: 2000, 128>}, {pipeline_mode = #tpu.pipeline_mode<synchronous>, transform_indices = @transform_3, window_bounds = array<i64: 128, 128>}, {pipeline_mode = #tpu.pipeline_mode<synchronous>, transform_indices = @transform_4, window_bounds = array<i64: 1, 128>}, {pipeline_mode = #tpu.pipeline_mode<synchronous>, transform_indices = @transform_5, window_bounds = array<i64: 1, 128>}, {pipeline_mode = #tpu.pipeline_mode<synchronous>, transform_indices = @transform_6, window_bounds = array<i64: 1, 128>}, {transform_indices = @transform_7, window_bounds = array<i64: 2000, 128>}]} {
    %get3A = arith.constant 0 : index
    %get3A_0 = arith.constant 0 : index
    %get3A_1 = vector.load %arg2[%get3A, %get3A_0] : memref<2000x128xf32, #tpu.memory_space<vmem>>, vector<2000x128xf32>
    %get3A_2 = arith.constant 0 : index
    %get3A_3 = arith.constant 0 : index
    %get3A_4 = vector.load %arg3[%get3A_2, %get3A_3] : memref<2000x128xf32, #tpu.memory_space<vmem>>, vector<2000x128xf32>
    %add3A = arith.addf %get3A_1, %get3A_4 : vector<2000x128xf32>
    %get3A_5 = arith.constant 0 : index
    %get3A_6 = arith.constant 0 : index
    %get3A_7 = vector.load %arg4[%get3A_5, %get3A_6] : memref<128x128xf32, #tpu.memory_space<vmem>>, vector<128x128xf32>
    %dot_general3A = arith.constant dense<0.000000e+00> : vector<2000x128xf32>
    %dot_general3A_8 = tpu.matmul %add3A, %get3A_7, %dot_general3A {dimension_numbers = #tpu.dot_dimension_numbers<[1], [0], [0], [1], [0, 0, 1, 1], [], []>, precision = #tpu.contract_precision<fp32>, transpose_lhs_hint = false} : vector<2000x128xf32>, vector<128x128xf32>, vector<2000x128xf32> -> vector<2000x128xf32>
    %get3A_9 = arith.constant 0 : index
    %get3A_10 = arith.constant 0 : index
    %get3A_11 = vector.load %arg5[%get3A_9, %get3A_10] : memref<1x128xf32, #tpu.memory_space<vmem>>, vector<1x128xf32>
    %add3A_12 = vector.broadcast %get3A_11 : vector<1x128xf32> to vector<2000x128xf32>
    %add3A_13 = arith.addf %dot_general3A_8, %add3A_12 : vector<2000x128xf32>
    %get3A_14 = arith.constant 0 : index
    %get3A_15 = arith.constant 0 : index
    %get3A_16 = vector.load %arg1[%get3A_14, %get3A_15] : memref<2000x128xf32, #tpu.memory_space<vmem>>, vector<2000x128xf32>
    %max3A = arith.constant 0.000000e+00 : f32
    %max3A_17 = vector.broadcast %max3A : f32 to vector<2000x128xf32>
    %max3A_18 = arith.maximumf %add3A_13, %max3A_17 : vector<2000x128xf32>
    %add3A_19 = arith.addf %get3A_16, %max3A_18 : vector<2000x128xf32>
    %reduce_sum3A = arith.constant dense<0.000000e+00> : vector<2000xf32>
    %reduce_sum3A_20 = vector.multi_reduction <add>, %add3A_19, %reduce_sum3A [1] : vector<2000x128xf32> to vector<2000xf32>
    %broadcast_in_dim3A = vector.shape_cast %reduce_sum3A_20 : vector<2000xf32> to vector<2000x1xf32>
    %div3A = arith.constant 1.280000e+02 : f32
    %div3A_21 = vector.broadcast %div3A : f32 to vector<2000x1xf32>
    %div3A_22 = arith.divf %broadcast_in_dim3A, %div3A_21 : vector<2000x1xf32>
    %sub3A = vector.broadcast %div3A_22 : vector<2000x1xf32> to vector<2000x128xf32>
    %sub3A_23 = arith.subf %add3A_19, %sub3A : vector<2000x128xf32>
    %mul3A = arith.mulf %sub3A_23, %sub3A_23 : vector<2000x128xf32>
    %reduce_sum3A_24 = arith.constant dense<0.000000e+00> : vector<2000xf32>
    %reduce_sum3A_25 = vector.multi_reduction <add>, %mul3A, %reduce_sum3A_24 [1] : vector<2000x128xf32> to vector<2000xf32>
    %broadcast_in_dim3A_26 = vector.shape_cast %reduce_sum3A_25 : vector<2000xf32> to vector<2000x1xf32>
    %div3A_27 = arith.constant 1.280000e+02 : f32
    %div3A_28 = vector.broadcast %div3A_27 : f32 to vector<2000x1xf32>
    %div3A_29 = arith.divf %broadcast_in_dim3A_26, %div3A_28 : vector<2000x1xf32>
    %add3A_30 = arith.constant 9.99999974E-6 : f32
    %add3A_31 = vector.broadcast %add3A_30 : f32 to vector<2000x1xf32>
    %add3A_32 = arith.addf %div3A_29, %add3A_31 : vector<2000x1xf32>
    %rsqrt3A = math.rsqrt %add3A_32 : vector<2000x1xf32>
    %mul3A_33 = vector.broadcast %rsqrt3A : vector<2000x1xf32> to vector<2000x128xf32>
    %mul3A_34 = arith.mulf %sub3A_23, %mul3A_33 : vector<2000x128xf32>
    %get3A_35 = arith.constant 0 : index
    %get3A_36 = arith.constant 0 : index
    %get3A_37 = vector.load %arg6[%get3A_35, %get3A_36] : memref<1x128xf32, #tpu.memory_space<vmem>>, vector<1x128xf32>
    %mul3A_38 = vector.broadcast %get3A_37 : vector<1x128xf32> to vector<2000x128xf32>
    %mul3A_39 = arith.mulf %mul3A_34, %mul3A_38 : vector<2000x128xf32>
    %get3A_40 = arith.constant 0 : index
    %get3A_41 = arith.constant 0 : index
    %get3A_42 = vector.load %arg7[%get3A_40, %get3A_41] : memref<1x128xf32, #tpu.memory_space<vmem>>, vector<1x128xf32>
    %add3A_43 = vector.broadcast %get3A_42 : vector<1x128xf32> to vector<2000x128xf32>
    %add3A_44 = arith.addf %mul3A_39, %add3A_43 : vector<2000x128xf32>
    %swap3A = arith.constant 0 : index
    %swap3A_45 = arith.constant 0 : index
    %swap3A_46 = vector.load %arg8[%swap3A, %swap3A_45] : memref<2000x128xf32, #tpu.memory_space<vmem>>, vector<2000x128xf32>
    tpu.vector_store %arg8[%swap3A, %swap3A_45], %add3A_44 {strides = array<i32>} : memref<2000x128xf32, #tpu.memory_space<vmem>>, vector<2000x128xf32>,
    return
  }
  func.func @transform_0(%arg0: i32) -> (i32, i32) {
    %c0_i32 = arith.constant 0 : i32
    %c0_i32_0 = arith.constant 0 : i32
    return %arg0, %c0_i32 : i32, i32
  }
  func.func @transform_1(%arg0: i32) -> (i32, i32) {
    %c0_i32 = arith.constant 0 : i32
    %c0_i32_0 = arith.constant 0 : i32
    return %arg0, %c0_i32 : i32, i32
  }
  func.func @transform_2(%arg0: i32) -> (i32, i32) {
    %c0_i32 = arith.constant 0 : i32
    %c0_i32_0 = arith.constant 0 : i32
    return %arg0, %c0_i32 : i32, i32
  }
  func.func @transform_3(%arg0: i32) -> (i32, i32) {
    %c0_i32 = arith.constant 0 : i32
    %c0_i32_0 = arith.constant 0 : i32
    %c0_i32_1 = arith.constant 0 : i32
    return %c0_i32, %c0_i32_0 : i32, i32
  }
  func.func @transform_4(%arg0: i32) -> (i32, i32) {
    %c0_i32 = arith.constant 0 : i32
    %c0_i32_0 = arith.constant 0 : i32
    %c0_i32_1 = arith.constant 0 : i32
    return %c0_i32, %c0_i32_0 : i32, i32
  }
  func.func @transform_5(%arg0: i32) -> (i32, i32) {
    %c0_i32 = arith.constant 0 : i32
    %c0_i32_0 = arith.constant 0 : i32
    %c0_i32_1 = arith.constant 0 : i32
    return %c0_i32, %c0_i32_0 : i32, i32
  }
  func.func @transform_6(%arg0: i32) -> (i32, i32) {
    %c0_i32 = arith.constant 0 : i32
    %c0_i32_0 = arith.constant 0 : i32
    %c0_i32_1 = arith.constant 0 : i32
    return %c0_i32, %c0_i32_0 : i32, i32
  }
  func.func @transform_7(%arg0: i32) -> (i32, i32) {
    %c0_i32 = arith.constant 0 : i32
    %c0_i32_0 = arith.constant 0 : i32
    return %arg0, %c0_i32 : i32, i32
  }
}

module attributes {stable_mosaic.version = 14 : i64} {
  func.func @body(%arg0: i32, %arg1: memref<2000x128xf32, #tpu.memory_space<vmem>>, %arg2: memref<128x128xf32, #tpu.memory_space<vmem>>, %arg3: memref<2000x128xf32, #tpu.memory_space<vmem>>) attributes {dimension_semantics = [#tpu.dimension_semantics<arbitrary>], iteration_bounds = array<i64: 5>, scalar_prefetch = 0 : i64, scratch_operands = 0 : i64, tpu.core_type = #tpu.core_type<tc>, window_params = [{transform_indices = @transform_0, window_bounds = array<i64: 2000, 128>}, {pipeline_mode = #tpu.pipeline_mode<synchronous>, transform_indices = @transform_1, window_bounds = array<i64: 128, 128>}, {transform_indices = @transform_2, window_bounds = array<i64: 2000, 128>}]} {
    %get3A = arith.constant 0 : index
    %get3A_0 = arith.constant 0 : index
    %get3A_1 = vector.load %arg1[%get3A, %get3A_0] : memref<2000x128xf32, #tpu.memory_space<vmem>>, vector<2000x128xf32>
    %get3A_2 = arith.constant 0 : index
    %get3A_3 = arith.constant 0 : index
    %get3A_4 = vector.load %arg2[%get3A_2, %get3A_3] : memref<128x128xf32, #tpu.memory_space<vmem>>, vector<128x128xf32>
    %dot_general3A = arith.constant dense<0.000000e+00> : vector<2000x128xf32>
    %dot_general3A_5 = tpu.matmul %get3A_1, %get3A_4, %dot_general3A {dimension_numbers = #tpu.dot_dimension_numbers<[1], [0], [0], [1], [0, 0, 1, 1], [], []>, precision = #tpu.contract_precision<fp32>, transpose_lhs_hint = false} : vector<2000x128xf32>, vector<128x128xf32>, vector<2000x128xf32> -> vector<2000x128xf32>
    %swap3A = arith.constant 0 : index
    %swap3A_6 = arith.constant 0 : index
    %swap3A_7 = vector.load %arg3[%swap3A, %swap3A_6] : memref<2000x128xf32, #tpu.memory_space<vmem>>, vector<2000x128xf32>
    tpu.vector_store %arg3[%swap3A, %swap3A_6], %dot_general3A_5 {strides = array<i32>} : memref<2000x128xf32, #tpu.memory_space<vmem>>, vector<2000x128xf32>,
    return
  }
  func.func @transform_0(%arg0: i32) -> (i32, i32) {
    %c0_i32 = arith.constant 0 : i32
    %c0_i32_0 = arith.constant 0 : i32
    return %arg0, %c0_i32 : i32, i32
  }
  func.func @transform_1(%arg0: i32) -> (i32, i32) {
    %c0_i32 = arith.constant 0 : i32
    %c0_i32_0 = arith.constant 0 : i32
    %c0_i32_1 = arith.constant 0 : i32
    return %c0_i32, %c0_i32_0 : i32, i32
  }
  func.func @transform_2(%arg0: i32) -> (i32, i32) {
    %c0_i32 = arith.constant 0 : i32
    %c0_i32_0 = arith.constant 0 : i32
    return %arg0, %c0_i32 : i32, i32
  }
}

</mosaic_0001>

<sc_bundles>
// kernel: closed_call.9.cloned.1.call-start
scs
__scs_entry_jumppad:
0x0: {  	(pc) =	sbr.rel $0x88, $3  }
0x1: {  	(tag) =	ssettag $0x0;
	lr =	simm.s32 $0x1  }
0x2: {  	[smem:$0x3F98] =	sst lr;
	_ =	strace $0xD0000000  }
0x3: {  	_ = 	snop  }
0x4: {  	_ = 	snop  }
0x5: {  	_ = 	snop  }
0x6: {  	_ = 	snop  }
0x7: {  	_ = 	snop  }
__scs_overlays_trampoline_lowered:
0x8: {  	[smem:$0x3FA7] =	sst s0  }
0x9: {  	[smem:$0x3FA8] =	sst s1  }
0xa: {  	[smem:$0x3FA9] =	sst s2  }
0xb: {  	[smem:$0x3FAA] =	sst s3  }
0xc: {  	[smem:$0x3FAB] =	sst s4  }
0xd: {  	[smem:$0x3FAC] =	sst s5  }
0xe: {  	[smem:$0x3FAD] =	sst s6  }
0xf: {  	[smem:$0x3FAE] =	sst s7  }
0x10: {  	[smem:$0x3FAF] =	sst s8  }
0x11: {  	[smem:$0x3FB0] =	sst s9;
	s0 =	simm.s32 @!p0 $0x0  }
0x12: {  	s1 =	sld [smem:$0x3F96];
	s0 =	simm.s32 @p0 $0x1  }
0x13: {  	[smem:$0x3FB1] =	sst s0;
	s0 =	simm.s32 @!p1 $0x0  }
0x14: {  	s2 =	sld [smem:$0x3F95];
	s0 =	simm.s32 @p1 $0x1  }
0x15: {  	[smem:$0x3FB2] =	sst s0;
	s0 =	simm.s32 @!p2 $0x0  }
0x16: {  	s3 =	sld [smem:$0x3FDB];
	s0 =	simm.s32 @p2 $0x1  }
0x17: {  	s4 =	simm.s32 $0x1BF5;
	[smem:$0x3FB4] =	sst s0  }
0x18: {  	s0 =	sld [smem:$0x3F97];
	_ =	swait.ge [sflag:s4], $0x0  }
0x19: {  	s7 =	sld [smem:$0x3F98]  }
0x1a: {  	s8 =	sadd.s32 $0xFFFFE003, lr  }
0x1b: {  	s9 =	sadd.s32 $0xFFFFFEF7, lr;
	s5 =	simm.s32 $0xFFFFFFFF;
	p2 =	slt.u32 s8, $0xFFFFF086  }
0x1c: {  	p1 =	slt.u32 s9, $0xF7A;
	s5 =	simm.s32 @!p2 $0x0  }
0x1d: {  	s5 =	simm.s32 @p1 $0x1;
	p0 =	seq.s32 s7, s2  }
0x1e: {  	s7 =	smul.u32 @!p0 $0xF7A, s2;
	p2 =	seq.s32 @!p0 s5, $0x0  }
0x1f: {  	s9 =	smul.u32 $0xF7A, s1;
	s8 =	simm.s32 @!p0 $0x1BF5;
	p2 =	por !p2, p0  }
0x20: {  	[sflag:s8] =	ssyncset.s32 @!p0 $0xFFFFF086;
	s6 =	sadd.s32 @!p0 s3, s7;
	s7 =	simm.s32 @!p0 $0x108  }
0x21: {  	s3 =	sadd.s32 s3, s9;
	s6 =	sadd.s32 @!p0 $0x88, s6;
	s7 =	simm.s32 @p2 $0x1082  }
0x22: {  	[simem:s7], [sflag:s8] =	dma.local @!p0 [hbm:s6], $0xF7A  }
0x23: {  	s9 =	sor.u32 $0xD0000000, s2;
	s6 =	simm.s32 $0x108;
	_ =	swait.ge @!p0 [sflag:s8], $0x0  }
0x24: {  	s3 =	sadd.s32 $0x88, s3;
	s6 =	simm.s32 @!p1 $0x1082;
	[sflag:s4] =	ssyncset.s32 $0xFFFFF086  }
0x25: {  	[simem:s6], [sflag:s4] =	dma.local [hbm:s3], $0xF7A  }
0x26: {  	[smem:$0x3F98] =	sst s1;
	(tag) =	ssettag s2;
	_ =	strace s9  }
0x27: {  	s1 =	sld [smem:$0x3FA8]  }
0x28: {  	s2 =	sld [smem:$0x3FA9]  }
0x29: {  	s4 =	sld [smem:$0x3FAB]  }
0x2a: {  	p0 =	seq.s32 s5, $0x0;
	s5 =	sld [smem:$0x3FAC]  }
0x2b: {  	s6 =	sld [smem:$0x3FAD]  }
0x2c: {  	s7 =	sld [smem:$0x3FAE]  }
0x2d: {  	s3 =	simm.s32 $0x108;
	s8 =	sld [smem:$0x3FAF]  }
0x2e: {  	s3 =	simm.s32 @!p0 $0x1082;
	s9 =	sld [smem:$0x3FB0]  }
0x2f: {  	lr =	sadd.s32 s0, s3;
	s0 =	sld [smem:$0x3FA7]  }
0x30: {  	s3 =	sld [smem:$0x3FAA]  }
0x31: {  	[smem:$0x3FB3] =	sst s10  }
0x32: {  	s10 =	sld [smem:$0x3FB1];
	_ =	sdelay $0x3  }
0x33: {  	p0 =	seq.s32 s10, $0x1;
	s10 =	sld [smem:$0x3FB3];
	_ =	sdelay $0x3  }
0x34: {  	[smem:$0x3FB3] =	sst s10  }
0x35: {  	s10 =	sld [smem:$0x3FB2];
	_ =	sdelay $0x3  }
0x36: {  	p1 =	seq.s32 s10, $0x1;
	s10 =	sld [smem:$0x3FB3];
	_ =	sdelay $0x3  }
0x37: {  	[smem:$0x3FB3] =	sst s10  }
0x38: {  	s10 =	sld [smem:$0x3FB4]  }
0x39: {  	_ = 	snop;
	(pc) =	sbr.ind lr, $3  }
0x3a: {  	_ = 	snop  }
0x3b: {  	_ = 	snop  }
0x3c: {  	p2 =	seq.s32 s10, $0x1;
	s10 =	sld [smem:$0x3FB3]  }
0x3d: {  	_ =	shalt  }
0x3e: {  	_ =	shalt  }
0x3f: {  	_ =	shalt  }
0x40: {  	_ =	shalt  }
0x41: {  	_ =	shalt  }
0x42: {  	_ =	shalt  }
0x43: {  	_ =	shalt  }
0x44: {  	_ =	shalt  }
0x45: {  	_ =	shalt  }
0x46: {  	_ =	shalt  }
0x47: {  	_ =	shalt  }
0x48: {  	_ =	shalt  }
0x49: {  	_ =	shalt  }
0x4a: {  	_ =	shalt  }
0x4b: {  	_ =	shalt  }
0x4c: {  	_ =	shalt  }
0x4d: {  	_ =	shalt  }
0x4e: {  	_ =	shalt  }
0x4f: {  	_ =	shalt  }
0x50: {  	_ =	shalt  }
0x51: {  	_ =	shalt  }
0x52: {  	_ =	shalt  }
0x53: {  	_ =	shalt  }
0x54: {  	_ =	shalt  }
0x55: {  	_ =	shalt  }
0x56: {  	_ =	shalt  }
0x57: {  	_ =	shalt  }
0x58: {  	_ =	shalt  }
0x59: {  	_ =	shalt  }
0x5a: {  	_ =	shalt  }
0x5b: {  	_ =	shalt  }
0x5c: {  	_ =	shalt  }
0x5d: {  	_ =	shalt  }
0x5e: {  	_ =	shalt  }
0x5f: {  	_ =	shalt  }
0x60: {  	_ =	shalt  }
0x61: {  	_ =	shalt  }
0x62: {  	_ =	shalt  }
0x63: {  	_ =	shalt  }
0x64: {  	_ =	shalt  }
0x65: {  	_ =	shalt  }
0x66: {  	_ =	shalt  }
0x67: {  	_ =	shalt  }
0x68: {  	_ =	shalt  }
0x69: {  	_ =	shalt  }
0x6a: {  	_ =	shalt  }
0x6b: {  	_ =	shalt  }
0x6c: {  	_ =	shalt  }
0x6d: {  	_ =	shalt  }
0x6e: {  	_ =	shalt  }
0x6f: {  	_ =	shalt  }
0x70: {  	_ =	shalt  }
0x71: {  	_ =	shalt  }
0x72: {  	_ =	shalt  }
0x73: {  	_ =	shalt  }
0x74: {  	_ =	shalt  }
0x75: {  	_ =	shalt  }
0x76: {  	_ =	shalt  }
0x77: {  	_ =	shalt  }
0x78: {  	_ =	shalt  }
0x79: {  	_ =	shalt  }
0x7a: {  	_ =	shalt  }
0x7b: {  	_ =	shalt  }
0x7c: {  	_ =	shalt  }
0x7d: {  	_ =	shalt  }
0x7e: {  	_ =	shalt  }
0x7f: {  	_ =	shalt  }
0x80: {  	_ =	shalt  }
0x81: {  	_ =	shalt  }
0x82: {  	_ =	shalt  }
0x83: {  	_ =	shalt  }
0x84: {  	_ =	shalt  }
0x85: {  	_ =	shalt  }
0x86: {  	_ =	shalt  }
0x87: {  	_ =	shalt  }
.Lfunc_end0:
.L_simem_size_0:
called_computation_lowered:
.L_overlay_start_0:
0x88: {  	s2 =	sld [smem:$0x3FD9]  }
0x89: {  	s3 =	sld [smem:$0x3FFE];
	_ =	sdelay $0x1  }
0x8a: {  	s1 =	srdreg.scid  }
0x8b: {  	s0 =	sand.u32 $0x1, s1  }
0x8c: {  	s17 =	sshll.u32 s0, $0xA;
	s2 =	sadd.s32 s3, s2  }
0x8d: {  	s2 =	sadd.s32 s2, s17  }
0x8e: {  	[smem:$0x3FBF] =	sst s2  }
0x8f: {  	_ = 	snop  }
0x90: {  	s2 =	sld [smem:$0x3FD0];
	(tm) =	ssettm $0x1  }
0x91: {  	s18 =	sld [smem:$0x3FFB];
	_ =	sdelay $0x3  }
0x92: {  	_ =	strace s18  }
0x93: {  	s3 =	sld [smem:$0x3FFC];
	_ =	sdelay $0x3  }
0x94: {  	_ =	strace s3  }
0x95: {  	s3 =	sld [smem:$0x3FFD];
	_ =	sdelay $0x3  }
0x96: {  	_ =	strace s3  }
0x97: {  	_ =	strace $0x8FFFFFFF  }
0x98: {  	s19 =	sld [smem:$0x3FDB];
	_ =	sdelay $0x1  }
0x99: {  	s4 =	simm.s32 $_scs_section_size  }
0x9a: {  	s5 =	simm.s32 $_size__tile_overlayer_lowered;
	s6 =	simm.s32 $_tile_overlayer_lowered  }
0x9b: {  	s22 =	simm.s32 $0x1BFF;
	s21 =	sshll.u32 s6, $0x1;
	s3 =	sadd.s32 s4, s19  }
0x9c: {  	s7 =	simm.s32 $0x0;
	s20 =	sshll.u32 s5, $0x1;
	s5 =	sadd.s32 s21, s3  }
0x9d: {  	[timem:s7], [sflag:s22] =	dma.local [hbm:s5], s20  }
0x9e: {  	_ =	swait.ge [sflag:s22], s20  }
0x9f: {  	s4 =	ssub.s32 $0x0, s20;
	[sflag:s22] =	ssyncset.done $0x0  }
0xa0: {  	[sflag:s22] =	ssyncadd.s32 s4;
	_ =	sdelay $0x1  }
0xa1: {  	s23 =	simm.s32 $0x1B8B  }
0xa2: {  	_ =	swait.ge [sflag:s23], $0x1  }
0xa3: {  	[sflag:s23] =	ssyncset.done $0x0  }
0xa4: {  	s25 =	simm.s32 $0x1B8E;
	s24 =	sld [smem:$0x3FFE];
	[sflag:s23] =	ssyncadd.s32 $0xFFFFFFFF  }
0xa5: {  	s26 =	simm.s32 $execute0_lowered;
	[smem:$0x3FD2] =	sst s25  }
0xa6: {  	s5 =	sshll.u32 s26, $0x1;
	_ =	strace $0x80000049;
	[dreg:$0x1] =	wrdreg $0xFFFFFFFF  }
0xa7: {  	s28 =	simm.s32 $_size_execute0_lowered;
	s3 =	sadd.s32 s3, s5;
	[dreg:$0x0] =	wrdreg $0x0  }
0xa8: {  	s5 =	sshll.u32 s28, $0x1;
	[dreg:$0x2] =	wrdreg s3  }
0xa9: {  	[dreg:$0x3] =	wrdreg s5  }
0xaa: {  	[dreg:$0x4] =	wrdreg $0xC0  }
0xab: {  	_ =	task [dreg:s7], $0x5FFFF  }
0xac: {  	[dreg:$0x1] =	wrdreg $0xFFFFFFFF  }
0xad: {  	[dreg:$0x0] =	wrdreg $0x60  }
0xae: {  	[dreg:$0x2] =	wrdreg s2  }
0xaf: {  	[dreg:$0x3] =	wrdreg s24  }
0xb0: {  	[dreg:$0x4] =	wrdreg $0x9E000  }
0xb1: {  	[dreg:$0x5] =	wrdreg $0x9  }
0xb2: {  	_ =	task.clear_ibuf [dreg:s7], $0x6FFFF;
	_ =	strace $0x90000049  }
0xb3: {  	s29 =	simm.s32 $0x9;
	_ =	strace $0x8000004B  }
0xb4: {  	_ =	swait.ge [sflag:s29], $0x1  }
0xb5: {  	[sflag:s29] =	ssyncadd.s32 $0xFFFFFFFF  }
0xb6: {  	_ =	strace $0x9000004B  }
0xb7: {  	_ =	sfence  }
0xb8: {  	s30 =	sld [smem:$0x0];
	_ =	sdelay $0x2  }
0xb9: {  	s31 =	sshll.u32 s1, $0xD;
	s1 =	sshrl.u32 s1, $0x2  }
0xba: {  	s3 =	sand.u32 $0x4000, s31;
	s1 =	sadd.s32 s1, s30  }
0xbb: {  	s0 =	sor.u32 s3, s0;
	s1 =	sshll.u32 s1, $0x11  }
0xbc: {  	s0 =	sor.u32 s1, s0  }
0xbd: {  	s0 =	sadd.s32 $0x8F2B, s0  }
0xbe: {  	[sflag:s0] =	ssyncadd.remote.s32 $0x1  }
0xbf: {  	_ =	sfence.sel $0xFFFF  }
0xc0: {  	[dreg:$0x0] =	wrdreg $0xFFFFFFFF;
	(pc) =	sbr.abs _section_cstart, $3  }
0xc1: {  	[dreg:$0x1] =	wrdreg $0xFFFFFFFF  }
0xc2: {  	_ =	task.clear_ibuf [dreg:s7], $0x2FFFF;
	_ =	strace $0x9FFFFFFF  }
0xc3: {  	(tm) =	ssettm $0x7FFFFFFF  }
tec
execute0_lowered:
.L_overlay_start_1:
0x0: {  	(tag) =	ssettag $0x1  }
0x1: {  	s1 =	rddreg [dreg:$0x0]  }
0x2: {  	s0 =	rddreg [dreg:$0x1]  }
0x3: {  	s2 =	rddreg [dreg:$0x2];
	s4 =	simm.s32 $0x0  }
0x4: {  	s3 =	srdreg.scid;
	s14 =	stileid.u32;
	s31 =	simm.s32 $0x2E00  }
0x5: {  	[smem:$0x7FF] =	sst s4;
	s6 =	sadd.s32 $0x28C00, s0;
	s3 =	sand.u32 $0x1, s3  }
0x6: {  	s5 =	smul.u32 $0x4E000, s14;
	s7 =	sadd.s32 $0x34400, s0;
	s9 =	sshll.u32 s14, $0x1  }
0x7: {  	s10 =	smul.u32 $0x13800, s14;
	s0 =	sadd.s32 $0x3FC00, s0;
	p0 =	sne.s32 s14, $0xF  }
0x8: {  	s30 =	sadd.s32 $0x138000, s2;
	_ =	strace $0x8000004A;
	s8 =	ssub.s32 $0x2, s3  }
0x9: {  	s9 =	sor.u32 s3, s9;
	s3 =	smul.u32 $0x138800, s3;
	s5 =	sshrl.u32 s5, $0x2  }
0xa: {  	s11 =	sshrl.u32 s8, $0x1;
	s9 =	smul.u32 $0x2E00, s9;
	s15 =	sadd.s32 $0x3400, s10  }
0xb: {  	s16 =	sadd.s32 $0x6800, s10;
	s5 =	sadd.s32 s5, s2;
	s8 =	ssub.s32 s8, s11  }
0xc: {  	s11 =	sadd.s32 $0x9C00, s10;
	s13 =	sadd.s32 s10, s3;
	s19 =	sadd.s32 s3, s15  }
0xd: {  	s24 =	sadd.s32 $0x2700, s5;
	s25 =	sadd.s32 $0x4E00, s5;
	s9 =	sshrl.u32 s9, $0x3  }
0xe: {  	s20 =	sshrl.u32 s19, $0x3;
	s23 =	sadd.s32 s3, s11;
	s18 =	sadd.s32 $0x7500, s5  }
0xf: {  	s19 =	sadd.s32 s11, s2;
	s28 =	sadd.s32 $0xEA00, s5;
	[dreg:$0x4] =	wrdreg s24  }
0x10: {  	s29 =	sadd.s32 $0x11100, s5;
	s11 =	simm.s32 $0x2D00;
	[dreg:$0x5] =	wrdreg s25  }
0x11: {  	s12 =	sadd.s32 s6, s9;
	s26 =	sadd.s32 $0x2E0, s9;
	s9 =	sadd.s32 s7, s9  }
0x12: {  	s24 =	sadd.s32 $0xD000, s10;
	s10 =	sadd.s32 $0x10400, s10;
	[dreg:$0x6] =	wrdreg s12  }
0x13: {  	[dreg:$0x7] =	wrdreg s9;
	s6 =	sadd.s32 s6, s26;
	s12 =	sadd.s32 s7, s26  }
0x14: {  	s25 =	sadd.s32 s3, s24;
	s26 =	sadd.s32 s3, s10;
	[dreg:$0x8] =	wrdreg s6  }
0x15: {  	s7 =	simm.s32 $0x1;
	s9 =	simm.s32 $0x2;
	[dreg:$0x9] =	wrdreg s12  }
0x16: {  	s6 =	sshrl.u32 s13, $0x3;
	s13 =	sadd.s32 s3, s16;
	s3 =	sshrl.u32 s3, $0x3  }
0x17: {  	s12 =	simm.s32 $0x2D80;
	s6 =	sadd.s32 s0, s6;
	s21 =	sshrl.u32 s13, $0x3  }
0x18: {  	s13 =	sshrl.u32 s26, $0x3;
	s26 =	sadd.s32 $0xC300, s5;
	[dreg:$0xa] =	wrdreg s6  }
0x19: {  	s6 =	sadd.s32 s0, s20;
	s22 =	sadd.s32 s0, s21;
	s17 =	sadd.s32 s0, s13  }
0x1a: {  	s20 =	sadd.s32 s15, s2;
	s21 =	sadd.s32 s16, s2;
	[dreg:$0xb] =	wrdreg s6  }
0x1b: {  	s13 =	simm.s32 $0x0;
	[dreg:$0xc] =	wrdreg s22;
	s6 =	sshrl.u32 s23, $0x3  }
0x1c: {  	s22 =	sadd.s32 s24, s2;
	s23 =	sadd.s32 s10, s2;
	s6 =	sadd.s32 s0, s6  }
0x1d: {  	s10 =	simm.s32 $0x1680;
	[dreg:$0xd] =	wrdreg s6;
	s6 =	sshrl.u32 s25, $0x3  }
0x1e: {  	s25 =	smax.u32 s8, $0x1;
	s8 =	simm.s32 $0x6600;
	s6 =	sadd.s32 s0, s6  }
0x1f: {  	s0 =	sadd.s32 s0, s3;
	s3 =	simm.s32 $0x1700;
	[dreg:$0xe] =	wrdreg s6  }
0x20: {  	v0 =	vimm.f32 $0.0e+00;
	s24 =	sadd.s32 $0x27000, s0;
	s0 =	simm.s32 $0x3;
	s6 =	simm.s32 $0x70  }
.LBB2_1:
0x21: {  	s14 =	simm.s32 $0x0;
	s15 =	simm.s32 $0x200  }
.LBB2_2:
0x22: {  	p1 =	sne.s32 s15, $0x9A00;
	[tilespmem:s14+$0x2E70] =	vst v0  }
0x23: {  	[tilespmem:s14+$0x2E00] =	vst v0  }
0x24: {  	[tilespmem:s14+$0x2E10] =	vst v0  }
.Ltmp0:
0x25: {  	[tilespmem:s14+$0x2E20] =	vst v0;
	(pc) =	sbr.rel @p1 .LBB2_2-.Ltmp0, $4  }
0x26: {  	[tilespmem:s14+$0x2E30] =	vst v0  }
0x27: {  	[tilespmem:s14+$0x2E40] =	vst v0  }
0x28: {  	[tilespmem:s14+$0x2E50] =	vst v0  }
0x29: {  	[tilespmem:s14+$0x2E60] =	vst v0;
	s14 =	sshra.s32 s15, $0x2;
	s15 =	sadd.s32 $0x200, s15  }
0x2a: {  	[tilespmem:s14+$0x2E70] =	vst v0  }
0x2b: {  	[tilespmem:s14+$0x2E00] =	vst v0  }
0x2c: {  	[tilespmem:s14+$0x2E10] =	vst v0  }
0x2d: {  	[tilespmem:s14+$0x2E20] =	vst v0  }
0x2e: {  	[tilespmem:s14+$0x2E30] =	vst v0  }
0x2f: {  	[tilespmem:s14+$0x2E40] =	vst v0  }
0x30: {  	[tilespmem:s14+$0x2E50] =	vst v0  }
0x31: {  	[tilespmem:s14+$0x2E60] =	vst v0  }
0x32: {  	[spmem:s5] =	stream.linear.scatter [tilespmem:s31], [sflag:$0x3], $0x2700, $0x38;
	[tilespmem:$0x1D6C0] =	vst v63  }
0x33: {  	_ =	swait.ge [sflag:s0], $0x2700  }
0x34: {  	[sflag:s0] =	ssyncset.done $0x0  }
0x35: {  	s16 =	rddreg [dreg:$0x4];
	[sflag:s0] =	ssyncadd.s32 $0xFFFFD900  }
0x36: {  	[spmem:s16] =	stream.linear.scatter [tilespmem:s31], [sflag:$0x3], $0x2700, $0x38;
	[tilespmem:$0x1D6C0] =	vst v63  }
0x37: {  	_ =	swait.ge [sflag:s0], $0x2700  }
0x38: {  	[sflag:s0] =	ssyncset.done $0x0  }
0x39: {  	s15 =	rddreg [dreg:$0x5];
	[sflag:s0] =	ssyncadd.s32 $0xFFFFD900  }
0x3a: {  	[spmem:s15] =	stream.linear.scatter [tilespmem:s31], [sflag:$0x3], $0x2700, $0x38;
	[tilespmem:$0x1D6C0] =	vst v63  }
0x3b: {  	_ =	swait.ge [sflag:s0], $0x2700  }
0x3c: {  	[sflag:s0] =	ssyncset.done $0x0  }
0x3d: {  	[sflag:s0] =	ssyncadd.s32 $0xFFFFD900  }
0x3e: {  	[spmem:s18] =	stream.linear.scatter [tilespmem:s31], [sflag:$0x3], $0x2700, $0x38;
	[tilespmem:$0x1D6C0] =	vst v63  }
0x3f: {  	_ =	swait.ge [sflag:s0], $0x2700  }
0x40: {  	[sflag:s0] =	ssyncset.done $0x0  }
0x41: {  	[sflag:s0] =	ssyncadd.s32 $0xFFFFD900  }
0x42: {  	[spmem:s19] =	stream.linear.scatter [tilespmem:s31], [sflag:$0x3], $0x2700, $0x38;
	[tilespmem:$0x1D6C0] =	vst v63  }
0x43: {  	_ =	swait.ge [sflag:s0], $0x2700  }
0x44: {  	[sflag:s0] =	ssyncset.done $0x0  }
0x45: {  	[sflag:s0] =	ssyncadd.s32 $0xFFFFD900  }
0x46: {  	[spmem:s26] =	stream.linear.scatter [tilespmem:s31], [sflag:$0x3], $0x2700, $0x38;
	[tilespmem:$0x1D6C0] =	vst v63  }
0x47: {  	_ =	swait.ge [sflag:s0], $0x2700  }
0x48: {  	[sflag:s0] =	ssyncset.done $0x0  }
0x49: {  	[sflag:s0] =	ssyncadd.s32 $0xFFFFD900  }
0x4a: {  	[spmem:s28] =	stream.linear.scatter [tilespmem:s31], [sflag:$0x3], $0x2700, $0x38;
	[tilespmem:$0x1D6C0] =	vst v63  }
0x4b: {  	_ =	swait.ge [sflag:s0], $0x2700  }
0x4c: {  	[sflag:s0] =	ssyncset.done $0x0  }
0x4d: {  	[sflag:s0] =	ssyncadd.s32 $0xFFFFD900  }
0x4e: {  	[spmem:s29] =	stream.linear.scatter [tilespmem:s31], [sflag:$0x3], $0x2700, $0x38;
	[tilespmem:$0x1D6C0] =	vst v63  }
0x4f: {  	_ =	swait.ge [sflag:s0], $0x2700  }
0x50: {  	[sflag:s0] =	ssyncset.done $0x0  }
0x51: {  	s14 =	simm.s32 @!p0 $0x2E00;
	[sflag:s0] =	ssyncadd.s32 $0xFFFFD900  }
0x52: {  	[spmem:s30] =	stream.linear.scatter @!p0 [tilespmem:s14], [sflag:$0x3], $0x800, $0x38;
	[tilespmem:$0x1D6C0] =	vst v63  }
0x53: {  	s14 =	simm.s32 @!p0 $0x3  }
0x54: {  	_ =	swait.ge @!p0 [sflag:s14], $0x800  }
0x55: {  	[sflag:s14] =	ssyncset.done @!p0 $0x0  }
0x56: {  	[sflag:s14] =	ssyncadd.s32 @!p0 $0xFFFFF800  }
0x57: {  	[bflag:$0x0] =	sbarrier.arrive $0xFFFF  }
0x58: {  	s14 =	simm.s32 $0x0;
	s15 =	rddreg [dreg:$0x6]  }
0x59: {  	[tilespmem:s14], [sflag:$0x3] =	stream.linear.gather [hbm4b:s15+s14], $0x1700, $0x38;
	[tilespmem:$0x1D6C0] =	vst v63  }
0x5a: {  	_ =	swait.ge [sflag:s0], $0x1700  }
0x5b: {  	[sflag:s0] =	ssyncset.done $0x0  }
0x5c: {  	s16 =	rddreg [dreg:$0x7];
	[sflag:s0] =	ssyncadd.s32 $0xFFFFE900  }
0x5d: {  	[tilespmem:s3], [sflag:$0x3] =	stream.linear.gather [hbm4b:s16+s14], $0x1700, $0x38;
	[tilespmem:$0x1D6C0] =	vst v63  }
0x5e: {  	_ =	swait.ge [sflag:s0], $0x1700  }
0x5f: {  	[sflag:s0] =	ssyncset.done $0x0  }
0x60: {  	[sflag:s0] =	ssyncadd.s32 $0xFFFFE900  }
0x61: {  	[tilespmem:s31], [sflag:$0x1] =	stream.indirect.gather [hbm4b:s1+s6], $0x80, s14, s6, $0xb8;
	[tilespmem:$0x1D6C0] =	vst v63  }
0x62: {  	_ =	swait.ge [sflag:s7], $0x3800  }
0x63: {  	[sflag:s7] =	ssyncset.done $0x0  }
0x64: {  	s15 =	simm.s32 $0x80;
	[sflag:s7] =	ssyncadd.s32 $0xFFFFC800  }
0x65: {  	[tilespmem:s8], [sflag:$0x2] =	stream.indirect.gather [hbm4b:s1+s6], $0x80, s15, s6, $0xb8;
	[tilespmem:$0x1D6C0] =	vst v63  }
0x66: {  	s16 =	simm.s32 $0x1700  }
0x67: {  	[spmem:s2] =	stream.indirect.scatter.add.f32 [tilespmem:s31], [sflag:$0x3], $0x80, s16, s6, $0xb8;
	[tilespmem:$0x1D6C0] =	vst v63  }
0x68: {  	_ =	swait.ge [sflag:s0], $0x3800  }
0x69: {  	[sflag:s0] =	ssyncset.done $0x0  }
0x6a: {  	s15 =	simm.s32 $0x100;
	[sflag:s0] =	ssyncadd.s32 $0xFFFFC800  }
0x6b: {  	[tilespmem:s31], [sflag:$0x1] =	stream.indirect.gather [hbm4b:s1+s6], $0x80, s15, s6, $0xb8;
	[tilespmem:$0x1D6C0] =	vst v63  }
0x6c: {  	_ =	swait.ge [sflag:s9], $0x3800  }
0x6d: {  	[sflag:s9] =	ssyncset.done $0x0  }
0x6e: {  	s16 =	simm.s32 $0x1780;
	[sflag:s9] =	ssyncadd.s32 $0xFFFFC800  }
0x6f: {  	[spmem:s2] =	stream.indirect.scatter.add.f32 [tilespmem:s8], [sflag:$0x3], $0x80, s16, s6, $0xb8;
	[tilespmem:$0x1D6C0] =	vst v63  }
0x70: {  	_ =	swait.ge [sflag:s0], $0x3800  }
0x71: {  	s14 =	simm.s32 $0x400;
	[sflag:s0] =	ssyncset.done $0x0  }
.LBB2_4:
0x72: {  	p1 =	sne.s32 s14, $0x5400  }
0x73: {  	[sflag:s0] =	ssyncadd.s32 $0xFFFFC800;
	s15 =	smov.u32 s14;
	s14 =	sadd.s32 $0x400, s14  }
0x74: {  	_ =	swait.ge [sflag:s7], $0x3800  }
0x75: {  	s15 =	sshra.s32 s15, $0x2;
	[sflag:s7] =	ssyncset.done $0x0  }
0x76: {  	s16 =	sadd.s32 $0x80, s15;
	[sflag:s7] =	ssyncadd.s32 $0xFFFFC800  }
0x77: {  	[tilespmem:s8], [sflag:$0x2] =	stream.indirect.gather [hbm4b:s1+s6], $0x80, s16, s6, $0xb8;
	[tilespmem:$0x1D6C0] =	vst v63  }
0x78: {  	s16 =	sadd.s32 $0x1700, s15  }
0x79: {  	[spmem:s2] =	stream.indirect.scatter.add.f32 [tilespmem:s31], [sflag:$0x3], $0x80, s16, s6, $0xb8;
	[tilespmem:$0x1D6C0] =	vst v63  }
0x7a: {  	_ =	swait.ge [sflag:s0], $0x3800  }
0x7b: {  	[sflag:s0] =	ssyncset.done $0x0  }
0x7c: {  	s16 =	sadd.s32 $0x100, s15;
	[sflag:s0] =	ssyncadd.s32 $0xFFFFC800  }
0x7d: {  	[tilespmem:s31], [sflag:$0x1] =	stream.indirect.gather [hbm4b:s1+s6], $0x80, s16, s6, $0xb8;
	[tilespmem:$0x1D6C0] =	vst v63  }
0x7e: {  	_ =	swait.ge [sflag:s9], $0x3800  }
.Ltmp1:
0x7f: {  	[sflag:s9] =	ssyncset.done $0x0;
	(pc) =	sbr.rel @p1 .LBB2_4-.Ltmp1, $4  }
0x80: {  	s15 =	sadd.s32 $0x1780, s15;
	[sflag:s9] =	ssyncadd.s32 $0xFFFFC800  }
0x81: {  	[spmem:s2] =	stream.indirect.scatter.add.f32 [tilespmem:s8], [sflag:$0x3], $0x80, s15, s6, $0xb8;
	[tilespmem:$0x1D6C0] =	vst v63  }
0x82: {  	_ =	swait.ge [sflag:s0], $0x3800  }
0x83: {  	[sflag:s0] =	ssyncset.done $0x0  }
0x84: {  	[sflag:s0] =	ssyncadd.s32 $0xFFFFC800  }
0x85: {  	_ =	swait.ge [sflag:s7], $0x3800  }
0x86: {  	[sflag:s7] =	ssyncset.done $0x0  }
0x87: {  	[sflag:s7] =	ssyncadd.s32 $0xFFFFC800  }
0x88: {  	[tilespmem:s8], [sflag:$0x2] =	stream.indirect.gather [hbm4b:s1+s6], $0x80, s10, s6, $0xb8;
	[tilespmem:$0x1D6C0] =	vst v63  }
0x89: {  	_ = 	snop  }
0x8a: {  	[spmem:s2] =	stream.indirect.scatter.add.f32 [tilespmem:s31], [sflag:$0x3], $0x80, s11, s6, $0xb8;
	[tilespmem:$0x1D6C0] =	vst v63  }
0x8b: {  	_ =	swait.ge [sflag:s0], $0x3800  }
0x8c: {  	[sflag:s0] =	ssyncset.done $0x0  }
0x8d: {  	[sflag:s0] =	ssyncadd.s32 $0xFFFFC800  }
0x8e: {  	_ =	swait.ge [sflag:s9], $0x3800  }
0x8f: {  	[sflag:s9] =	ssyncset.done $0x0  }
0x90: {  	[sflag:s9] =	ssyncadd.s32 $0xFFFFC800  }
0x91: {  	[spmem:s2] =	stream.indirect.scatter.add.f32 [tilespmem:s8], [sflag:$0x3], $0x80, s12, s6, $0xb8;
	[tilespmem:$0x1D6C0] =	vst v63  }
0x92: {  	_ =	swait.ge [sflag:s0], $0x3800  }
0x93: {  	[sflag:s0] =	ssyncset.done $0x0  }
0x94: {  	s14 =	simm.s32 $0x0;
	s15 =	rddreg [dreg:$0x8];
	[sflag:s0] =	ssyncadd.s32 $0xFFFFC800  }
0x95: {  	[tilespmem:s14], [sflag:$0x3] =	stream.linear.gather [hbm4b:s15+s14], $0x1700, $0x38;
	[tilespmem:$0x1D6C0] =	vst v63  }
0x96: {  	_ =	swait.ge [sflag:s0], $0x1700  }
0x97: {  	[sflag:s0] =	ssyncset.done $0x0  }
0x98: {  	s16 =	rddreg [dreg:$0x9];
	[sflag:s0] =	ssyncadd.s32 $0xFFFFE900  }
0x99: {  	[tilespmem:s3], [sflag:$0x3] =	stream.linear.gather [hbm4b:s16+s14], $0x1700, $0x38;
	[tilespmem:$0x1D6C0] =	vst v63  }
0x9a: {  	_ =	swait.ge [sflag:s0], $0x1700  }
0x9b: {  	[sflag:s0] =	ssyncset.done $0x0  }
0x9c: {  	[sflag:s0] =	ssyncadd.s32 $0xFFFFE900  }
0x9d: {  	[tilespmem:s31], [sflag:$0x1] =	stream.indirect.gather [hbm4b:s1+s6], $0x80, s14, s6, $0xb8;
	[tilespmem:$0x1D6C0] =	vst v63  }
0x9e: {  	_ =	swait.ge [sflag:s7], $0x3800  }
0x9f: {  	[sflag:s7] =	ssyncset.done $0x0  }
0xa0: {  	s15 =	simm.s32 $0x80;
	[sflag:s7] =	ssyncadd.s32 $0xFFFFC800  }
0xa1: {  	[tilespmem:s8], [sflag:$0x2] =	stream.indirect.gather [hbm4b:s1+s6], $0x80, s15, s6, $0xb8;
	[tilespmem:$0x1D6C0] =	vst v63  }
0xa2: {  	s16 =	simm.s32 $0x1700  }
0xa3: {  	[spmem:s2] =	stream.indirect.scatter.add.f32 [tilespmem:s31], [sflag:$0x3], $0x80, s16, s6, $0xb8;
	[tilespmem:$0x1D6C0] =	vst v63  }
0xa4: {  	_ =	swait.ge [sflag:s0], $0x3800  }
0xa5: {  	[sflag:s0] =	ssyncset.done $0x0  }
0xa6: {  	s15 =	simm.s32 $0x100;
	[sflag:s0] =	ssyncadd.s32 $0xFFFFC800  }
0xa7: {  	[tilespmem:s31], [sflag:$0x1] =	stream.indirect.gather [hbm4b:s1+s6], $0x80, s15, s6, $0xb8;
	[tilespmem:$0x1D6C0] =	vst v63  }
0xa8: {  	_ =	swait.ge [sflag:s9], $0x3800  }
0xa9: {  	[sflag:s9] =	ssyncset.done $0x0  }
0xaa: {  	s16 =	simm.s32 $0x1780;
	[sflag:s9] =	ssyncadd.s32 $0xFFFFC800  }
0xab: {  	[spmem:s2] =	stream.indirect.scatter.add.f32 [tilespmem:s8], [sflag:$0x3], $0x80, s16, s6, $0xb8;
	[tilespmem:$0x1D6C0] =	vst v63  }
0xac: {  	_ =	swait.ge [sflag:s0], $0x3800  }
0xad: {  	s14 =	simm.s32 $0x400;
	[sflag:s0] =	ssyncset.done $0x0  }
.LBB2_6:
0xae: {  	p1 =	sne.s32 s14, $0x5400  }
0xaf: {  	[sflag:s0] =	ssyncadd.s32 $0xFFFFC800;
	s15 =	smov.u32 s14;
	s14 =	sadd.s32 $0x400, s14  }
0xb0: {  	_ =	swait.ge [sflag:s7], $0x3800  }
0xb1: {  	s15 =	sshra.s32 s15, $0x2;
	[sflag:s7] =	ssyncset.done $0x0  }
0xb2: {  	s16 =	sadd.s32 $0x80, s15;
	[sflag:s7] =	ssyncadd.s32 $0xFFFFC800  }
0xb3: {  	[tilespmem:s8], [sflag:$0x2] =	stream.indirect.gather [hbm4b:s1+s6], $0x80, s16, s6, $0xb8;
	[tilespmem:$0x1D6C0] =	vst v63  }
0xb4: {  	s16 =	sadd.s32 $0x1700, s15  }
0xb5: {  	[spmem:s2] =	stream.indirect.scatter.add.f32 [tilespmem:s31], [sflag:$0x3], $0x80, s16, s6, $0xb8;
	[tilespmem:$0x1D6C0] =	vst v63  }
0xb6: {  	_ =	swait.ge [sflag:s0], $0x3800  }
0xb7: {  	[sflag:s0] =	ssyncset.done $0x0  }
0xb8: {  	s16 =	sadd.s32 $0x100, s15;
	[sflag:s0] =	ssyncadd.s32 $0xFFFFC800  }
0xb9: {  	[tilespmem:s31], [sflag:$0x1] =	stream.indirect.gather [hbm4b:s1+s6], $0x80, s16, s6, $0xb8;
	[tilespmem:$0x1D6C0] =	vst v63  }
0xba: {  	_ =	swait.ge [sflag:s9], $0x3800  }
.Ltmp2:
0xbb: {  	[sflag:s9] =	ssyncset.done $0x0;
	(pc) =	sbr.rel @p1 .LBB2_6-.Ltmp2, $4  }
0xbc: {  	s15 =	sadd.s32 $0x1780, s15;
	[sflag:s9] =	ssyncadd.s32 $0xFFFFC800  }
0xbd: {  	[spmem:s2] =	stream.indirect.scatter.add.f32 [tilespmem:s8], [sflag:$0x3], $0x80, s15, s6, $0xb8;
	[tilespmem:$0x1D6C0] =	vst v63  }
0xbe: {  	_ =	swait.ge [sflag:s0], $0x3800  }
0xbf: {  	[sflag:s0] =	ssyncset.done $0x0  }
0xc0: {  	[sflag:s0] =	ssyncadd.s32 $0xFFFFC800  }
0xc1: {  	_ =	swait.ge [sflag:s7], $0x3800  }
0xc2: {  	[sflag:s7] =	ssyncset.done $0x0  }
0xc3: {  	[sflag:s7] =	ssyncadd.s32 $0xFFFFC800  }
0xc4: {  	[tilespmem:s8], [sflag:$0x2] =	stream.indirect.gather [hbm4b:s1+s6], $0x80, s10, s6, $0xb8;
	[tilespmem:$0x1D6C0] =	vst v63  }
0xc5: {  	_ = 	snop  }
0xc6: {  	[spmem:s2] =	stream.indirect.scatter.add.f32 [tilespmem:s31], [sflag:$0x3], $0x80, s11, s6, $0xb8;
	[tilespmem:$0x1D6C0] =	vst v63  }
0xc7: {  	_ =	swait.ge [sflag:s0], $0x3800  }
0xc8: {  	[sflag:s0] =	ssyncset.done $0x0  }
0xc9: {  	[sflag:s0] =	ssyncadd.s32 $0xFFFFC800  }
0xca: {  	_ =	swait.ge [sflag:s9], $0x3800  }
0xcb: {  	[sflag:s9] =	ssyncset.done $0x0  }
0xcc: {  	[sflag:s9] =	ssyncadd.s32 $0xFFFFC800  }
0xcd: {  	[spmem:s2] =	stream.indirect.scatter.add.f32 [tilespmem:s8], [sflag:$0x3], $0x80, s12, s6, $0xb8;
	[tilespmem:$0x1D6C0] =	vst v63  }
0xce: {  	_ =	swait.ge [sflag:s0], $0x3800  }
0xcf: {  	[sflag:s0] =	ssyncset.done $0x0  }
0xd0: {  	[sflag:s0] =	ssyncadd.s32 $0xFFFFC800  }
0xd1: {  	[bflag:$0x0] =	sbarrier.arrive $0xFFFF  }
0xd2: {  	[tilespmem:s31], [sflag:$0x3] =	stream.linear.gather [spmem:s5], $0x3400, $0x38;
	[tilespmem:$0x1D6C0] =	vst v63  }
0xd3: {  	_ =	swait.ge [sflag:s0], $0x3400  }
0xd4: {  	[sflag:s0] =	ssyncset.done $0x0  }
0xd5: {  	s14 =	rddreg [dreg:$0xa];
	[sflag:s0] =	ssyncadd.s32 $0xFFFFCC00  }
0xd6: {  	[hbm4b:s14+s4] =	stream.linear.scatter [tilespmem:s31], [sflag:$0x3], $0x3400, $0x38;
	[tilespmem:$0x1D6C0] =	vst v63  }
0xd7: {  	_ =	swait.ge [sflag:s0], $0x3400  }
0xd8: {  	[sflag:s0] =	ssyncset.done $0x0  }
0xd9: {  	[sflag:s0] =	ssyncadd.s32 $0xFFFFCC00  }
0xda: {  	[tilespmem:s31], [sflag:$0x3] =	stream.linear.gather [spmem:s20], $0x3400, $0x38;
	[tilespmem:$0x1D6C0] =	vst v63  }
0xdb: {  	_ =	swait.ge [sflag:s0], $0x3400  }
0xdc: {  	[sflag:s0] =	ssyncset.done $0x0  }
0xdd: {  	s15 =	rddreg [dreg:$0xb];
	[sflag:s0] =	ssyncadd.s32 $0xFFFFCC00  }
0xde: {  	[hbm4b:s15+s4] =	stream.linear.scatter [tilespmem:s31], [sflag:$0x3], $0x3400, $0x38;
	[tilespmem:$0x1D6C0] =	vst v63  }
0xdf: {  	_ =	swait.ge [sflag:s0], $0x3400  }
0xe0: {  	[sflag:s0] =	ssyncset.done $0x0  }
0xe1: {  	[sflag:s0] =	ssyncadd.s32 $0xFFFFCC00  }
0xe2: {  	[tilespmem:s31], [sflag:$0x3] =	stream.linear.gather [spmem:s21], $0x3400, $0x38;
	[tilespmem:$0x1D6C0] =	vst v63  }
0xe3: {  	_ =	swait.ge [sflag:s0], $0x3400  }
0xe4: {  	[sflag:s0] =	ssyncset.done $0x0  }
0xe5: {  	s16 =	rddreg [dreg:$0xc];
	[sflag:s0] =	ssyncadd.s32 $0xFFFFCC00  }
0xe6: {  	[hbm4b:s16+s4] =	stream.linear.scatter [tilespmem:s31], [sflag:$0x3], $0x3400, $0x38;
	[tilespmem:$0x1D6C0] =	vst v63  }
0xe7: {  	_ =	swait.ge [sflag:s0], $0x3400  }
0xe8: {  	[sflag:s0] =	ssyncset.done $0x0  }
0xe9: {  	[sflag:s0] =	ssyncadd.s32 $0xFFFFCC00  }
0xea: {  	[tilespmem:s31], [sflag:$0x3] =	stream.linear.gather [spmem:s19], $0x3400, $0x38;
	[tilespmem:$0x1D6C0] =	vst v63  }
0xeb: {  	_ =	swait.ge [sflag:s0], $0x3400  }
0xec: {  	[sflag:s0] =	ssyncset.done $0x0  }
0xed: {  	s15 =	rddreg [dreg:$0xd];
	[sflag:s0] =	ssyncadd.s32 $0xFFFFCC00  }
0xee: {  	[hbm4b:s15+s4] =	stream.linear.scatter [tilespmem:s31], [sflag:$0x3], $0x3400, $0x38;
	[tilespmem:$0x1D6C0] =	vst v63  }
0xef: {  	_ =	swait.ge [sflag:s0], $0x3400  }
0xf0: {  	[sflag:s0] =	ssyncset.done $0x0  }
0xf1: {  	[sflag:s0] =	ssyncadd.s32 $0xFFFFCC00  }
0xf2: {  	[tilespmem:s31], [sflag:$0x3] =	stream.linear.gather [spmem:s22], $0x3400, $0x38;
	[tilespmem:$0x1D6C0] =	vst v63  }
0xf3: {  	_ =	swait.ge [sflag:s0], $0x3400  }
0xf4: {  	[sflag:s0] =	ssyncset.done $0x0  }
0xf5: {  	s16 =	rddreg [dreg:$0xe];
	[sflag:s0] =	ssyncadd.s32 $0xFFFFCC00  }
0xf6: {  	[hbm4b:s16+s4] =	stream.linear.scatter [tilespmem:s31], [sflag:$0x3], $0x3400, $0x38;
	[tilespmem:$0x1D6C0] =	vst v63  }
0xf7: {  	_ =	swait.ge [sflag:s0], $0x3400  }
0xf8: {  	[sflag:s0] =	ssyncset.done $0x0  }
0xf9: {  	[sflag:s0] =	ssyncadd.s32 $0xFFFFCC00  }
0xfa: {  	[tilespmem:s31], [sflag:$0x3] =	stream.linear.gather [spmem:s23], $0x3400, $0x38;
	[tilespmem:$0x1D6C0] =	vst v63  }
0xfb: {  	_ =	swait.ge [sflag:s0], $0x3400  }
0xfc: {  	[sflag:s0] =	ssyncset.done $0x0  }
0xfd: {  	[sflag:s0] =	ssyncadd.s32 $0xFFFFCC00  }
0xfe: {  	[hbm4b:s17+s4] =	stream.linear.scatter [tilespmem:s31], [sflag:$0x3], $0x3400, $0x38;
	[tilespmem:$0x1D6C0] =	vst v63  }
0xff: {  	_ =	swait.ge [sflag:s0], $0x3400  }
0x100: {  	[sflag:s0] =	ssyncset.done $0x0  }
0x101: {  	s14 =	simm.s32 @!p0 $0x6600;
	s15 =	simm.s32 @!p0 $0x3;
	[sflag:s0] =	ssyncadd.s32 $0xFFFFCC00  }
0x102: {  	[tilespmem:s14], [sflag:$0x3] =	stream.linear.gather @!p0 [spmem:s30], $0x800, $0x38;
	[tilespmem:$0x1D6C0] =	vst v63  }
0x103: {  	s13 =	sadd.s32 $0x1, s13;
	_ =	swait.ge @!p0 [sflag:s15], $0x800  }
0x104: {  	p1 =	sne.s32 s13, s25;
	[sflag:s15] =	ssyncset.done @!p0 $0x0  }
.Ltmp3:
0x105: {  	s16 =	simm.s32 @!p0 $0x0;
	[sflag:s15] =	ssyncadd.s32 @!p0 $0xFFFFF800;
	(pc) =	sbr.rel @p1 .LBB2_1-.Ltmp3, $4  }
0x106: {  	[hbm4b:s24+s16] =	stream.linear.scatter @!p0 [tilespmem:s14], [sflag:$0x3], $0x800, $0x38;
	[tilespmem:$0x1D6C0] =	vst v63  }
0x107: {  	_ =	swait.ge @!p0 [sflag:s15], $0x800  }
0x108: {  	[sflag:s15] =	ssyncset.done @!p0 $0x0  }
0x109: {  	[sflag:s15] =	ssyncadd.s32 @!p0 $0xFFFFF800  }
0x10a: {  	_ =	sfence.sel $0x180000  }
0x10b: {  	[bflag:$0x0] =	sbarrier.arrive $0xFFFF  }
0x10c: {  	_ =	strace $0x9000004A  }
0x10d: {  	s0 =	stileid.u32;
	[bflag:$0x2] =	sbarrier.arrive $0xFFFF  }
0x10e: {  	p0 =	sne.s32 s0, $0x0;
	s0 =	rddreg [dreg:$0x3]  }
0x10f: {  	s0 =	sadd.s32 @!p0 $0x100000, s0  }
0x110: {  	[sflag:s0] =	ssyncadd.tile.s32 @!p0 $0x1;
	_ =	shalt  }
.Lfunc_end2:
_tile_overlayer_lowered:
.L_overlay_start_2:
0x111: {  	(tag) =	ssettag $0x2  }
0x112: {  	s0 =	rddreg [dreg:$0x0];
	s2 =	stileid.u32  }
0x113: {  	s1 =	rddreg [dreg:$0x1];
	p0 =	sne.s32 s2, $0x0  }
0x114: {  	s3 =	rddreg [dreg:$0x2];
	[bflag:$0x3] =	sbarrier.arrive $0xFFFF;
	s2 =	simm.s32 @!p0 $0x1C03  }
0x115: {  	[timem:s3], [sflag:s2] =	dma.local @!p0 [hbm:s0], s1  }
0x116: {  	s0 =	simm.s32 @!p0 $0x3  }
0x117: {  	_ =	swait.ge @!p0 [sflag:s0], s1  }
0x118: {  	s1 =	ssub.s32 @!p0 $0x0, s1;
	[sflag:s0] =	ssyncset.done @!p0 $0x0  }
0x119: {  	[sflag:s0] =	ssyncadd.s32 @!p0 s1  }
0x11a: {  	[bflag:$0x3] =	sbarrier.arrive $0xFFFF  }
0x11b: {  	_ =	shalt  }

// kernel: kernel.4.cloned.1.call-start
scs
__scs_entry_jumppad:
0x0: {  	(pc) =	sbr.rel $0x88, $3  }
0x1: {  	(tag) =	ssettag $0x0;
	lr =	simm.s32 $0x1  }
0x2: {  	[smem:$0x3F98] =	sst lr;
	_ =	strace $0xD0000000  }
0x3: {  	_ = 	snop  }
0x4: {  	_ = 	snop  }
0x5: {  	_ = 	snop  }
0x6: {  	_ = 	snop  }
0x7: {  	_ = 	snop  }
__scs_overlays_trampoline_lowered:
0x8: {  	[smem:$0x3FA7] =	sst s0  }
0x9: {  	[smem:$0x3FA8] =	sst s1  }
0xa: {  	[smem:$0x3FA9] =	sst s2  }
0xb: {  	[smem:$0x3FAA] =	sst s3  }
0xc: {  	[smem:$0x3FAB] =	sst s4  }
0xd: {  	[smem:$0x3FAC] =	sst s5  }
0xe: {  	[smem:$0x3FAD] =	sst s6  }
0xf: {  	[smem:$0x3FAE] =	sst s7  }
0x10: {  	[smem:$0x3FAF] =	sst s8  }
0x11: {  	[smem:$0x3FB0] =	sst s9;
	s0 =	simm.s32 @!p0 $0x0  }
0x12: {  	s1 =	sld [smem:$0x3F96];
	s0 =	simm.s32 @p0 $0x1  }
0x13: {  	[smem:$0x3FB1] =	sst s0;
	s0 =	simm.s32 @!p1 $0x0  }
0x14: {  	s2 =	sld [smem:$0x3F95];
	s0 =	simm.s32 @p1 $0x1  }
0x15: {  	[smem:$0x3FB2] =	sst s0;
	s0 =	simm.s32 @!p2 $0x0  }
0x16: {  	s3 =	sld [smem:$0x3FDB];
	s0 =	simm.s32 @p2 $0x1  }
0x17: {  	s4 =	simm.s32 $0x1BF5;
	[smem:$0x3FB4] =	sst s0  }
0x18: {  	s0 =	sld [smem:$0x3F97];
	_ =	swait.ge [sflag:s4], $0x0  }
0x19: {  	s7 =	sld [smem:$0x3F98]  }
0x1a: {  	s8 =	sadd.s32 $0xFFFFE003, lr  }
0x1b: {  	s9 =	sadd.s32 $0xFFFFFEF7, lr;
	s5 =	simm.s32 $0xFFFFFFFF;
	p2 =	slt.u32 s8, $0xFFFFF086  }
0x1c: {  	p1 =	slt.u32 s9, $0xF7A;
	s5 =	simm.s32 @!p2 $0x0  }
0x1d: {  	s5 =	simm.s32 @p1 $0x1;
	p0 =	seq.s32 s7, s2  }
0x1e: {  	s7 =	smul.u32 @!p0 $0xF7A, s2;
	p2 =	seq.s32 @!p0 s5, $0x0  }
0x1f: {  	s9 =	smul.u32 $0xF7A, s1;
	s8 =	simm.s32 @!p0 $0x1BF5;
	p2 =	por !p2, p0  }
0x20: {  	[sflag:s8] =	ssyncset.s32 @!p0 $0xFFFFF086;
	s6 =	sadd.s32 @!p0 s3, s7;
	s7 =	simm.s32 @!p0 $0x108  }
0x21: {  	s3 =	sadd.s32 s3, s9;
	s6 =	sadd.s32 @!p0 $0x88, s6;
	s7 =	simm.s32 @p2 $0x1082  }
0x22: {  	[simem:s7], [sflag:s8] =	dma.local @!p0 [hbm:s6], $0xF7A  }
0x23: {  	s9 =	sor.u32 $0xD0000000, s2;
	s6 =	simm.s32 $0x108;
	_ =	swait.ge @!p0 [sflag:s8], $0x0  }
0x24: {  	s3 =	sadd.s32 $0x88, s3;
	s6 =	simm.s32 @!p1 $0x1082;
	[sflag:s4] =	ssyncset.s32 $0xFFFFF086  }
0x25: {  	[simem:s6], [sflag:s4] =	dma.local [hbm:s3], $0xF7A  }
0x26: {  	[smem:$0x3F98] =	sst s1;
	(tag) =	ssettag s2;
	_ =	strace s9  }
0x27: {  	s1 =	sld [smem:$0x3FA8]  }
0x28: {  	s2 =	sld [smem:$0x3FA9]  }
0x29: {  	s4 =	sld [smem:$0x3FAB]  }
0x2a: {  	p0 =	seq.s32 s5, $0x0;
	s5 =	sld [smem:$0x3FAC]  }
0x2b: {  	s6 =	sld [smem:$0x3FAD]  }
0x2c: {  	s7 =	sld [smem:$0x3FAE]  }
0x2d: {  	s3 =	simm.s32 $0x108;
	s8 =	sld [smem:$0x3FAF]  }
0x2e: {  	s3 =	simm.s32 @!p0 $0x1082;
	s9 =	sld [smem:$0x3FB0]  }
0x2f: {  	lr =	sadd.s32 s0, s3;
	s0 =	sld [smem:$0x3FA7]  }
0x30: {  	s3 =	sld [smem:$0x3FAA]  }
0x31: {  	[smem:$0x3FB3] =	sst s10  }
0x32: {  	s10 =	sld [smem:$0x3FB1];
	_ =	sdelay $0x3  }
0x33: {  	p0 =	seq.s32 s10, $0x1;
	s10 =	sld [smem:$0x3FB3];
	_ =	sdelay $0x3  }
0x34: {  	[smem:$0x3FB3] =	sst s10  }
0x35: {  	s10 =	sld [smem:$0x3FB2];
	_ =	sdelay $0x3  }
0x36: {  	p1 =	seq.s32 s10, $0x1;
	s10 =	sld [smem:$0x3FB3];
	_ =	sdelay $0x3  }
0x37: {  	[smem:$0x3FB3] =	sst s10  }
0x38: {  	s10 =	sld [smem:$0x3FB4]  }
0x39: {  	_ = 	snop;
	(pc) =	sbr.ind lr, $3  }
0x3a: {  	_ = 	snop  }
0x3b: {  	_ = 	snop  }
0x3c: {  	p2 =	seq.s32 s10, $0x1;
	s10 =	sld [smem:$0x3FB3]  }
0x3d: {  	_ =	shalt  }
0x3e: {  	_ =	shalt  }
0x3f: {  	_ =	shalt  }
0x40: {  	_ =	shalt  }
0x41: {  	_ =	shalt  }
0x42: {  	_ =	shalt  }
0x43: {  	_ =	shalt  }
0x44: {  	_ =	shalt  }
0x45: {  	_ =	shalt  }
0x46: {  	_ =	shalt  }
0x47: {  	_ =	shalt  }
0x48: {  	_ =	shalt  }
0x49: {  	_ =	shalt  }
0x4a: {  	_ =	shalt  }
0x4b: {  	_ =	shalt  }
0x4c: {  	_ =	shalt  }
0x4d: {  	_ =	shalt  }
0x4e: {  	_ =	shalt  }
0x4f: {  	_ =	shalt  }
0x50: {  	_ =	shalt  }
0x51: {  	_ =	shalt  }
0x52: {  	_ =	shalt  }
0x53: {  	_ =	shalt  }
0x54: {  	_ =	shalt  }
0x55: {  	_ =	shalt  }
0x56: {  	_ =	shalt  }
0x57: {  	_ =	shalt  }
0x58: {  	_ =	shalt  }
0x59: {  	_ =	shalt  }
0x5a: {  	_ =	shalt  }
0x5b: {  	_ =	shalt  }
0x5c: {  	_ =	shalt  }
0x5d: {  	_ =	shalt  }
0x5e: {  	_ =	shalt  }
0x5f: {  	_ =	shalt  }
0x60: {  	_ =	shalt  }
0x61: {  	_ =	shalt  }
0x62: {  	_ =	shalt  }
0x63: {  	_ =	shalt  }
0x64: {  	_ =	shalt  }
0x65: {  	_ =	shalt  }
0x66: {  	_ =	shalt  }
0x67: {  	_ =	shalt  }
0x68: {  	_ =	shalt  }
0x69: {  	_ =	shalt  }
0x6a: {  	_ =	shalt  }
0x6b: {  	_ =	shalt  }
0x6c: {  	_ =	shalt  }
0x6d: {  	_ =	shalt  }
0x6e: {  	_ =	shalt  }
0x6f: {  	_ =	shalt  }
0x70: {  	_ =	shalt  }
0x71: {  	_ =	shalt  }
0x72: {  	_ =	shalt  }
0x73: {  	_ =	shalt  }
0x74: {  	_ =	shalt  }
0x75: {  	_ =	shalt  }
0x76: {  	_ =	shalt  }
0x77: {  	_ =	shalt  }
0x78: {  	_ =	shalt  }
0x79: {  	_ =	shalt  }
0x7a: {  	_ =	shalt  }
0x7b: {  	_ =	shalt  }
0x7c: {  	_ =	shalt  }
0x7d: {  	_ =	shalt  }
0x7e: {  	_ =	shalt  }
0x7f: {  	_ =	shalt  }
0x80: {  	_ =	shalt  }
0x81: {  	_ =	shalt  }
0x82: {  	_ =	shalt  }
0x83: {  	_ =	shalt  }
0x84: {  	_ =	shalt  }
0x85: {  	_ =	shalt  }
0x86: {  	_ =	shalt  }
0x87: {  	_ =	shalt  }
.Lfunc_end0:
.L_simem_size_0:
called_computation.1_lowered:
.L_overlay_start_0:
0x88: {  	s2 =	sld [smem:$0x3FD9]  }
0x89: {  	s3 =	sld [smem:$0x3FFE];
	_ =	sdelay $0x1  }
0x8a: {  	s1 =	srdreg.scid  }
0x8b: {  	s0 =	sand.u32 $0x1, s1  }
0x8c: {  	s17 =	sshll.u32 s0, $0xA;
	s2 =	sadd.s32 s3, s2  }
0x8d: {  	s2 =	sadd.s32 s2, s17  }
0x8e: {  	[smem:$0x3FBF] =	sst s2  }
0x8f: {  	_ = 	snop  }
0x90: {  	s2 =	sld [smem:$0x3FC7]  }
0x91: {  	s18 =	sld [smem:$0x3FC6]  }
0x92: {  	s4 =	sld [smem:$0x3FD0];
	(tm) =	ssettm $0x1  }
0x93: {  	s5 =	sld [smem:$0x3FFB];
	_ =	sdelay $0x3  }
0x94: {  	_ =	strace s5  }
0x95: {  	s5 =	sld [smem:$0x3FFC];
	_ =	sdelay $0x3  }
0x96: {  	_ =	strace s5  }
0x97: {  	s5 =	sld [smem:$0x3FFD];
	_ =	sdelay $0x3  }
0x98: {  	_ =	strace s5  }
0x99: {  	_ =	strace $0x8FFFFFFF  }
0x9a: {  	s19 =	sld [smem:$0x3FDB];
	_ =	sdelay $0x1  }
0x9b: {  	s6 =	simm.s32 $_scs_section_size  }
0x9c: {  	s7 =	simm.s32 $_size__tile_overlayer_lowered;
	s8 =	simm.s32 $_tile_overlayer_lowered  }
0x9d: {  	s22 =	simm.s32 $0x1BFF;
	s21 =	sshll.u32 s8, $0x1;
	s5 =	sadd.s32 s6, s19  }
0x9e: {  	s9 =	simm.s32 $0x0;
	s20 =	sshll.u32 s7, $0x1;
	s7 =	sadd.s32 s21, s5  }
0x9f: {  	[timem:s9], [sflag:s22] =	dma.local [hbm:s7], s20  }
0xa0: {  	_ =	swait.ge [sflag:s22], s20  }
0xa1: {  	s6 =	ssub.s32 $0x0, s20;
	[sflag:s22] =	ssyncset.done $0x0  }
0xa2: {  	[sflag:s22] =	ssyncadd.s32 s6;
	_ =	sdelay $0x1  }
0xa3: {  	s23 =	simm.s32 $0x1B8B  }
0xa4: {  	_ =	swait.ge [sflag:s23], $0x1  }
0xa5: {  	[sflag:s23] =	ssyncset.done $0x0  }
0xa6: {  	s25 =	simm.s32 $0x1B8E;
	s24 =	sld [smem:$0x3FFE];
	[sflag:s23] =	ssyncadd.s32 $0xFFFFFFFF  }
0xa7: {  	s26 =	simm.s32 $execute0_lowered;
	[smem:$0x3FD2] =	sst s25  }
0xa8: {  	s7 =	sshll.u32 s26, $0x1;
	_ =	strace $0x80000046;
	[dreg:$0x1] =	wrdreg $0xFFFFFFFF  }
0xa9: {  	s28 =	simm.s32 $_size_execute0_lowered;
	s5 =	sadd.s32 s5, s7;
	[dreg:$0x0] =	wrdreg $0x0  }
0xaa: {  	s7 =	sshll.u32 s28, $0x1;
	[dreg:$0x2] =	wrdreg s5  }
0xab: {  	[dreg:$0x3] =	wrdreg s7  }
0xac: {  	[dreg:$0x4] =	wrdreg $0xC0  }
0xad: {  	_ =	task [dreg:s9], $0x5FFFF  }
0xae: {  	[dreg:$0x1] =	wrdreg $0xFFFFFFFF  }
0xaf: {  	[dreg:$0x0] =	wrdreg $0x60  }
0xb0: {  	[dreg:$0x2] =	wrdreg s24  }
0xb1: {  	[dreg:$0x3] =	wrdreg s4  }
0xb2: {  	[dreg:$0x4] =	wrdreg s2  }
0xb3: {  	[dreg:$0x5] =	wrdreg s18  }
0xb4: {  	[dreg:$0x6] =	wrdreg $0x9  }
0xb5: {  	_ =	task.clear_ibuf [dreg:s9], $0x7FFFF;
	_ =	strace $0x90000046  }
0xb6: {  	s29 =	simm.s32 $0x9;
	_ =	strace $0x80000048  }
0xb7: {  	_ =	swait.ge [sflag:s29], $0x1  }
0xb8: {  	[sflag:s29] =	ssyncadd.s32 $0xFFFFFFFF  }
0xb9: {  	_ =	strace $0x90000048  }
0xba: {  	_ =	sfence  }
0xbb: {  	s30 =	sld [smem:$0x0];
	_ =	sdelay $0x2  }
0xbc: {  	s31 =	sshll.u32 s1, $0xD;
	s1 =	sshrl.u32 s1, $0x2  }
0xbd: {  	s3 =	sand.u32 $0x4000, s31;
	s1 =	sadd.s32 s1, s30  }
0xbe: {  	s0 =	sor.u32 s3, s0;
	s1 =	sshll.u32 s1, $0x11  }
0xbf: {  	s0 =	sor.u32 s1, s0  }
0xc0: {  	s0 =	sadd.s32 $0x8F2B, s0  }
0xc1: {  	[sflag:s0] =	ssyncadd.remote.s32 $0x1  }
0xc2: {  	_ =	sfence.sel $0xFFFF  }
0xc3: {  	[dreg:$0x0] =	wrdreg $0xFFFFFFFF;
	(pc) =	sbr.abs _section_cstart, $3  }
0xc4: {  	[dreg:$0x1] =	wrdreg $0xFFFFFFFF  }
0xc5: {  	_ =	task.clear_ibuf [dreg:s9], $0x2FFFF;
	_ =	strace $0x9FFFFFFF  }
0xc6: {  	(tm) =	ssettm $0x7FFFFFFF  }
0xc7: {  	_ =	shalt  }
tec
execute0_lowered:
.L_overlay_start_1:
0x0: {  	(tag) =	ssettag $0x1  }
0x1: {  	s7 =	rddreg [dreg:$0x0]  }
0x2: {  	s1 =	rddreg [dreg:$0x1]  }
0x3: {  	s2 =	rddreg [dreg:$0x2]  }
0x4: {  	s3 =	rddreg [dreg:$0x3]  }
0x5: {  	s0 =	rddreg [dreg:$0x4];
	s5 =	simm.s32 $0x0  }
0x6: {  	s6 =	srdreg.scid;
	s4 =	stileid.u32;
	s13 =	simm.s32 $0x50  }
0x7: {  	s14 =	simm.s32 $0x100;
	s15 =	simm.s32 $0x2900;
	s16 =	simm.s32 $0x1  }
0x8: {  	s17 =	simm.s32 $0x2;
	s18 =	simm.s32 $0x0;
	[smem:$0x7FF] =	sst s5  }
0x9: {  	s8 =	sand.u32 $0x1, s6;
	s9 =	sshll.u32 s4, $0x1;
	s6 =	sadd.s32 $0x1200, s7  }
0xa: {  	s7 =	sadd.s32 $0x1800, s7;
	_ =	strace $0x80000047;
	s10 =	ssub.s32 $0x2, s8  }
0xb: {  	s9 =	sor.u32 s8, s9;
	s8 =	simm.s32 $0x4;
	s11 =	sshrl.u32 s10, $0x1  }
0xc: {  	s12 =	smul.u32 $0x3, s9;
	p0 =	slt.u32 s9, $0x1D;
	s9 =	smin.u32 s9, $0x1D  }
0xd: {  	s10 =	ssub.s32 s10, s11;
	s8 =	simm.s32 @!p0 $0x3;
	s11 =	simm.s32 $0x3  }
0xe: {  	s9 =	sadd.s32 s9, s12;
	s10 =	smax.u32 s10, $0x1;
	s12 =	simm.s32 $0x80  }
.LBB2_1:
0xf: {  	s19 =	simm.s32 $0x0  }
.LBB2_2:
0x10: {  	s20 =	sadd.s32 s19, s9  }
0x11: {  	s21 =	smul.u32 $0xA, s20;
	_ =	sdelay $0x1  }
0x12: {  	s23 =	simm.s32 $0x0;
	s22 =	sadd.s32 s6, s21  }
0x13: {  	[tilespmem:s23], [sflag:$0x3] =	stream.linear.gather [hbm4b:s22+s23], $0x50, $0x38;
	[tilespmem:$0x5100] =	vst v63  }
0x14: {  	_ =	swait.ge [sflag:s11], $0x50  }
0x15: {  	[sflag:s11] =	ssyncset.done $0x0  }
0x16: {  	s21 =	sadd.s32 s1, s21;
	[sflag:s11] =	ssyncadd.s32 $0xFFFFFFB0  }
0x17: {  	[tilespmem:s12], [sflag:$0x3] =	stream.linear.gather [hbm4b:s21+s23], $0x50, $0x38;
	[tilespmem:$0x5100] =	vst v63  }
0x18: {  	_ =	swait.ge [sflag:s11], $0x50  }
0x19: {  	[sflag:s11] =	ssyncset.done $0x0  }
0x1a: {  	[sflag:s11] =	ssyncadd.s32 $0xFFFFFFB0  }
0x1b: {  	[tilespmem:s14], [sflag:$0x1] =	stream.indirect.gather [hbm4b:s2+s13], $0x80, s23, s13, $0xb8;
	[tilespmem:$0x5100] =	vst v63  }
0x1c: {  	_ = 	snop  }
0x1d: {  	[tilespmem:s15], [sflag:$0x2] =	stream.indirect.gather [hbm4b:s3+s13], $0x80, s12, s13, $0xb8;
	[tilespmem:$0x5100] =	vst v63  }
0x1e: {  	_ =	swait.ge [sflag:s16], $0x2800  }
0x1f: {  	[sflag:s16] =	ssyncset.done $0x0  }
0x20: {  	[sflag:s16] =	ssyncadd.s32 $0xFFFFD800  }
0x21: {  	_ =	swait.ge [sflag:s17], $0x2800  }
0x22: {  	[sflag:s17] =	ssyncset.done $0x0  }
0x23: {  	s21 =	simm.s32 $0x0;
	[sflag:s17] =	ssyncadd.s32 $0xFFFFD800  }
0x24: {  	v7 =	vld [tilespmem:s21+$0x2900]  }
0x25: {  	v11 =	vld [tilespmem:s21+$0x2910]  }
0x26: {  	v5 =	vld [tilespmem:s21+$0x2920]  }
0x27: {  	v4 =	vld [tilespmem:s21+$0x2930]  }
0x28: {  	v3 =	vld [tilespmem:s21+$0x2940]  }
0x29: {  	v2 =	vld [tilespmem:s21+$0x2950]  }
0x2a: {  	v1 =	vld [tilespmem:s21+$0x2960]  }
0x2b: {  	v0 =	vld [tilespmem:s21+$0x2970]  }
0x2c: {  	v12 =	vld [tilespmem:s21+$0x100]  }
0x2d: {  	v13 =	vld [tilespmem:s21+$0x110]  }
0x2e: {  	v10 =	vld [tilespmem:s21+$0x120]  }
0x2f: {  	v9 =	vld [tilespmem:s21+$0x130]  }
0x30: {  	v8 =	vld [tilespmem:s21+$0x140]  }
0x31: {  	v6 =	vld [tilespmem:s21+$0x150];
	v12 =	vadd.f32 v7, v12  }
0x32: {  	s22 =	simm.s32 $0x200;
	v11 =	vadd.f32 v11, v13;
	v7 =	vld [tilespmem:s21+$0x160]  }
.LBB2_3:
0x33: {  	s23 =	sshra.s32 s22, $0x2;
	p0 =	sne.s32 s22, $0x9E00;
	[tilespmem:s21+$0x100] =	vst v12;
	v5 =	vadd.f32 v5, v10;
	v10 =	vld [tilespmem:s21+$0x170]  }
0x34: {  	v12 =	vld [tilespmem:s23+$0x2900];
	[tilespmem:s21+$0x110] =	vst v11;
	v4 =	vadd.f32 v4, v9  }
0x35: {  	v11 =	vld [tilespmem:s23+$0x2910];
	[tilespmem:s21+$0x120] =	vst v5;
	v3 =	vadd.f32 v3, v8  }
0x36: {  	v5 =	vld [tilespmem:s23+$0x2920];
	[tilespmem:s21+$0x130] =	vst v4;
	v2 =	vadd.f32 v2, v6  }
0x37: {  	v4 =	vld [tilespmem:s23+$0x2930];
	[tilespmem:s21+$0x140] =	vst v3;
	v1 =	vadd.f32 v1, v7  }
0x38: {  	v3 =	vld [tilespmem:s23+$0x2940];
	[tilespmem:s21+$0x150] =	vst v2;
	v0 =	vadd.f32 v0, v10  }
0x39: {  	v2 =	vld [tilespmem:s23+$0x2950];
	[tilespmem:s21+$0x160] =	vst v1  }
0x3a: {  	v1 =	vld [tilespmem:s23+$0x2960];
	[tilespmem:s21+$0x170] =	vst v0;
	s21 =	smov.u32 s23  }
0x3b: {  	v0 =	vld [tilespmem:s21+$0x2970]  }
0x3c: {  	v6 =	vld [tilespmem:s21+$0x100]  }
0x3d: {  	v7 =	vld [tilespmem:s21+$0x110]  }
.Ltmp0:
0x3e: {  	v10 =	vld [tilespmem:s21+$0x120];
	(pc) =	sbr.rel @p0 .LBB2_3-.Ltmp0, $4  }
0x3f: {  	v9 =	vld [tilespmem:s21+$0x130]  }
0x40: {  	v8 =	vld [tilespmem:s21+$0x140]  }
0x41: {  	v12 =	vadd.f32 v12, v6;
	v6 =	vld [tilespmem:s21+$0x150]  }
0x42: {  	s22 =	sadd.s32 $0x200, s22;
	v11 =	vadd.f32 v11, v7;
	v7 =	vld [tilespmem:s21+$0x160]  }
0x43: {  	[tilespmem:s21+$0x100] =	vst v12;
	v5 =	vadd.f32 v5, v10;
	v63 =	vld [tilespmem:s21+$0x170]  }
0x44: {  	[tilespmem:s21+$0x110] =	vst v11;
	v4 =	vadd.f32 v4, v9  }
0x45: {  	[tilespmem:s21+$0x120] =	vst v5;
	v3 =	vadd.f32 v3, v8  }
0x46: {  	[tilespmem:s21+$0x130] =	vst v4;
	v2 =	vadd.f32 v2, v6  }
0x47: {  	[tilespmem:s21+$0x140] =	vst v3;
	v1 =	vadd.f32 v1, v7  }
0x48: {  	s20 =	smul.u32 $0x500, s20;
	s19 =	sadd.s32 $0x1, s19;
	[tilespmem:s21+$0x150] =	vst v2;
	v0 =	vadd.f32 v0, v63  }
0x49: {  	p0 =	sne.s32 s19, s8;
	[tilespmem:s21+$0x160] =	vst v1  }
.Ltmp1:
0x4a: {  	s20 =	sadd.s32 s7, s20;
	[tilespmem:s21+$0x170] =	vst v0;
	(pc) =	sbr.rel @p0 .LBB2_2-.Ltmp1, $4  }
0x4b: {  	[hbm4b:s20+s5] =	stream.linear.scatter [tilespmem:s14], [sflag:$0x3], $0x2800, $0x38;
	[tilespmem:$0x5100] =	vst v63  }
0x4c: {  	_ =	swait.ge [sflag:s11], $0x2800  }
0x4d: {  	[sflag:s11] =	ssyncset.done $0x0  }
0x4e: {  	[sflag:s11] =	ssyncadd.s32 $0xFFFFD800  }
0x4f: {  	s18 =	sadd.s32 $0x1, s18  }
0x50: {  	p0 =	sne.s32 s18, s10  }
.Ltmp2:
0x51: {  	_ = 	snop;
	(pc) =	sbr.rel @p0 .LBB2_1-.Ltmp2, $1  }
0x52: {  	_ =	sdelay $0x3  }
0x53: {  	_ =	sfence.sel $0x180000  }
0x54: {  	[bflag:$0x0] =	sbarrier.arrive $0xFFFF  }
0x55: {  	p0 =	sne.s32 s4, $0x0;
	_ =	strace $0x90000047  }
0x56: {  	s0 =	sadd.s32 @!p0 $0x100000, s0;
	[bflag:$0x2] =	sbarrier.arrive $0xFFFF  }
0x57: {  	[sflag:s0] =	ssyncadd.tile.s32 @!p0 $0x1;
	_ =	shalt  }
.Lfunc_end2:
_tile_overlayer_lowered:
.L_overlay_start_2:
0x58: {  	(tag) =	ssettag $0x2  }
0x59: {  	s0 =	rddreg [dreg:$0x0];
	s2 =	stileid.u32  }
0x5a: {  	s1 =	rddreg [dreg:$0x1];
	p0 =	sne.s32 s2, $0x0  }
0x5b: {  	s3 =	rddreg [dreg:$0x2];
	[bflag:$0x3] =	sbarrier.arrive $0xFFFF;
	s2 =	simm.s32 @!p0 $0x1C03  }
0x5c: {  	[timem:s3], [sflag:s2] =	dma.local @!p0 [hbm:s0], s1  }
0x5d: {  	s0 =	simm.s32 @!p0 $0x3  }
0x5e: {  	_ =	swait.ge @!p0 [sflag:s0], s1  }
0x5f: {  	s1 =	ssub.s32 @!p0 $0x0, s1;
	[sflag:s0] =	ssyncset.done @!p0 $0x0  }
0x60: {  	[sflag:s0] =	ssyncadd.s32 @!p0 s1  }
0x61: {  	[bflag:$0x3] =	sbarrier.arrive $0xFFFF  }
0x62: {  	_ =	shalt  }

</sc_bundles>
